<compile_context>
chip_gen: v7x
topology: tpu7x:2x2x1
jax: 0.10.2.dev20260603
libtpu: 0.0.44.dev20260713+nightly
codegen_flags: <defaults>
</compile_context>

<pallas_src>
import functools
import jax
import jax.numpy as jnp
from jax import lax
from jax.experimental import pallas as pl
from jax.experimental.pallas import tpu as pltpu
from jax.experimental.pallas import tpu_sc as plsc

NC = 2
NS = 16
NW = NC * NS
CHUNK = 128



def _mm2_body(x_ref, wa_ref, wb_ref, oa_ref, ob_ref):
    x = x_ref[...]
    n = x_ref.shape[0]
    oa_ref[:n] = jnp.dot(x, wa_ref[...], preferred_element_type=jnp.float32)
    if oa_ref.shape[0] > n:
        oa_ref[n:] = jnp.zeros((oa_ref.shape[0] - n, oa_ref.shape[1]),
                               jnp.float32)
    ob_ref[...] = jnp.dot(x, wb_ref[...], preferred_element_type=jnp.float32)


def _mid_body(xroot_ref, parts_ref, b_ref, wrel_ref, wroot_ref, hr_ref, hroot_ref):
    n = xroot_ref.shape[0]
    h = xroot_ref[...] + parts_ref[0, :n] + parts_ref[1, :n] + b_ref[...]
    h = jnp.maximum(h, 0.0)
    hr_ref[:n] = jnp.dot(h, wrel_ref[...], preferred_element_type=jnp.float32)
    if hr_ref.shape[0] > n:
        hr_ref[n:] = jnp.zeros((hr_ref.shape[0] - n, hr_ref.shape[1]),
                               jnp.float32)
    hroot_ref[...] = jnp.dot(h, wroot_ref[...], preferred_element_type=jnp.float32)


def _final_body(hroot_ref, parts_ref, b_ref, o_ref):
    n = hroot_ref.shape[0]
    z = hroot_ref[...] + parts_ref[0, :n] + parts_ref[1, :n] + b_ref[...]
    m = jnp.max(z, axis=1, keepdims=True)
    lse = m + jnp.log(jnp.sum(jnp.exp(z - m), axis=1, keepdims=True))
    o_ref[...] = z - lse



def _sc_scatter_body(ept, acc_rows, n_nodes, d,
                     table, eir, out, idx_s, idx_d, rowbuf0, tab_sh,
                     acc, sem0):
    c = lax.axis_index("c")
    s = lax.axis_index("s")
    wid = s * NC + c
    pltpu.sync_copy(eir.at[0].at[wid], idx_s)
    pltpu.sync_copy(eir.at[1].at[wid], idx_d)
    trows = table.shape[0] // NS
    pltpu.sync_copy(table.at[pl.ds(s * trows, trows)],
                    tab_sh.at[pl.ds(s * trows, trows)])
    zvec = jnp.zeros((16,), jnp.float32)

    def zfill(i, carry):
        rowbuf0[i // (d // 16), pl.ds((i % (d // 16)) * 16, 16)] = zvec
        return carry

    lax.fori_loop(0, 128 * d // 16, zfill, 0)
    zrows = acc_rows // NS
    for k in range(zrows // 128):
        pltpu.sync_copy(rowbuf0.at[pl.ds(0, 128)],
                        acc.at[pl.ds(s * zrows + k * 128, 128)])
    plsc.subcore_barrier()

    n_ch = -(-ept // CHUNK)

    def chunk(i, carry):
        pltpu.async_copy(tab_sh.at[idx_s.at[i]], rowbuf0, sem0).wait()
        pltpu.sync_copy(rowbuf0, acc.at[idx_d.at[i]], add=True)
        return carry

    lax.fori_loop(0, n_ch, chunk, 0)
    plsc.subcore_barrier()
    pltpu.sync_copy(acc.at[pl.ds(s * zrows, zrows)],
                    out.at[c].at[pl.ds(s * zrows, zrows)])


def _make_sc_scatter(n_nodes, tpad, d, ept):
    acc_rows = ((n_nodes + NS * CHUNK - 1) // (NS * CHUNK)) * (NS * CHUNK)
    n_ch = -(-ept // CHUNK)
    mesh = plsc.VectorSubcoreMesh(core_axis_name="c", subcore_axis_name="s")
    kern = pl.kernel(
        functools.partial(_sc_scatter_body, ept, acc_rows, n_nodes, d),
        out_type=jax.ShapeDtypeStruct((NC, acc_rows, d), jnp.float32),
        mesh=mesh,
        scratch_types=[
            pltpu.VMEM((n_ch, CHUNK), jnp.int32),
            pltpu.VMEM((n_ch, CHUNK), jnp.int32),
            pltpu.VMEM((CHUNK, d), jnp.float32),
            pltpu.VMEM_SHARED((tpad, d), jnp.float32),
            pltpu.VMEM_SHARED((acc_rows, d), jnp.float32),
            pltpu.SemaphoreType.DMA,
        ],
        compiler_params=pltpu.CompilerParams(use_tc_tiling_on_sc=False),
    )
    return kern, acc_rows



def kernel(x, edge_index, W1_root, W1_rel, b1, W2_root, W2_rel, b2):
    n_nodes, d_in = x.shape
    d_hid = W1_root.shape[1]
    d_out = W2_root.shape[1]
    n_edges = edge_index.shape[1]

    ept = n_edges // NW
    n_ch = -(-ept // CHUNK)

    tpad = ((n_nodes + NS) // NS) * NS
    sc1, acc_rows1 = _make_sc_scatter(n_nodes, tpad, d_hid, ept)
    sc2, acc_rows2 = _make_sc_scatter(n_nodes, tpad, d_out, ept)

    eir = jnp.pad(edge_index.reshape(2, NW, ept),
                  ((0, 0), (0, 0), (0, n_ch * CHUNK - ept)),
                  constant_values=n_nodes).reshape(2, NW, n_ch, CHUNK)

    mm2 = pl.pallas_call(
        _mm2_body,
        out_shape=(jax.ShapeDtypeStruct((tpad, d_hid), jnp.float32),
                   jax.ShapeDtypeStruct((n_nodes, d_hid), jnp.float32)),
    )
    xr1, xroot = mm2(x, W1_rel, W1_root)

    parts1 = sc1(xr1, eir)

    mid = pl.pallas_call(
        _mid_body,
        out_shape=(jax.ShapeDtypeStruct((tpad, d_out), jnp.float32),
                   jax.ShapeDtypeStruct((n_nodes, d_out), jnp.float32)),
    )
    hr, hroot = mid(xroot, parts1, b1.reshape(1, d_hid), W2_rel, W2_root)

    parts2 = sc2(hr, eir)

    final = pl.pallas_call(
        _final_body,
        out_shape=jax.ShapeDtypeStruct((n_nodes, d_out), jnp.float32),
    )
    return final(hroot, parts2, b2.reshape(1, d_out))

# --- scband reference (transcript-rebuilt; emitter-appended) ---
"""Pipeline reference for scband-gcn-850403525401 (READ-ONLY COPY).

The authoritative reference and input builder live on the scoring server;
editing this copy changes nothing except your own understanding.
"""

import jax, jax.numpy as jnp
import numpy as np

N_NODES = 10000
N_EDGES = 320000
D_IN = 128
D_HID = 64
D_OUT = 16


def setup_inputs(seed: int = 0) -> dict:
    key = jax.random.key(seed)
    ks = jax.random.split(key, 9)
    x = jax.random.normal(ks[0], (N_NODES, D_IN), dtype=jnp.float32)
    edge_index = jax.random.randint(ks[1], (2, N_EDGES), 0, N_NODES, dtype=jnp.int32)
    # GraphConv (PyG): out = x @ W_root + segment_sum(x[src], dst) @ W_rel + b
    # lin_rel has bias, lin_root has no bias.
    s1 = 1.0 / np.sqrt(D_IN)
    s2 = 1.0 / np.sqrt(D_HID)
    W1_root = jax.random.uniform(ks[2], (D_IN, D_HID), jnp.float32, -s1, s1)
    W1_rel = jax.random.uniform(ks[3], (D_IN, D_HID), jnp.float32, -s1, s1)
    b1 = jax.random.uniform(ks[4], (D_HID,), jnp.float32, -s1, s1)
    W2_root = jax.random.uniform(ks[5], (D_HID, D_OUT), jnp.float32, -s2, s2)
    W2_rel = jax.random.uniform(ks[6], (D_HID, D_OUT), jnp.float32, -s2, s2)
    b2 = jax.random.uniform(ks[7], (D_OUT,), jnp.float32, -s2, s2)
    return {"x": x, "edge_index": edge_index, "W1_root": W1_root, "W1_rel": W1_rel,
            "b1": b1, "W2_root": W2_root, "W2_rel": W2_rel, "b2": b2}


def _graph_conv(x, src, dst, W_root, W_rel, b):
    agg = jax.ops.segment_sum(jnp.take(x, src, axis=0), dst, num_segments=N_NODES)
    return x @ W_root + agg @ W_rel + b


def reference(x, edge_index, W1_root, W1_rel, b1, W2_root, W2_rel, b2):
    src = edge_index[0]
    dst = edge_index[1]
    h = _graph_conv(x, src, dst, W1_root, W1_rel, b1)
    h = jax.nn.relu(h)
    # dropout is identity in eval mode (training=False)
    h2 = _graph_conv(h, src, dst, W2_root, W2_rel, b2)
    return jax.nn.log_softmax(h2, axis=1)

if __name__ == "__main__":
    import jax
    _d = setup_inputs()
    print(jax.jit(kernel)(*tuple(_d.values())))

</pallas_src>

<mosaic_0001>
#map = affine_map<(d0, d1) -> (0, 0)>
#map1 = affine_map<(d0, d1) -> (0, 0, 0, 0)>
#map2 = affine_map<(d0, d1) -> (0, 0, 0)>
module attributes {stable_mosaic.version = 14 : i64} {
  func.func @_sc_scatter_body(%arg0: i32, %arg1: i32, %arg2: memref<10016x64xf32, #tpu.memory_space<hbm>>, %arg3: memref<2x32x79x128xi32, #tpu.memory_space<hbm>>, %arg4: memref<2x10240x64xf32, #tpu.memory_space<hbm>>, %arg5: memref<79x128xi32, #tpu.memory_space<vmem>>, %arg6: memref<79x128xi32, #tpu.memory_space<vmem>>, %arg7: memref<128x64xf32, #tpu.memory_space<vmem>>, %arg8: memref<10016x64xf32, #tpu.memory_space<vmem_shared>>, %arg9: memref<10240x64xf32, #tpu.memory_space<vmem_shared>>, %arg10: memref<!tpu.dma_semaphore, #tpu.memory_space<semaphore_mem>>) attributes {dimension_semantics = [#tpu.dimension_semantics<core_parallel>, #tpu.dimension_semantics<subcore_parallel>], iteration_bounds = array<i64: 2, 16>, scalar_prefetch = 0 : i64, scratch_operands = 6 : i64, tpu.core_type = #tpu.core_type<sc_vector_subcore>, window_params = [{transform_indices = #map}, {transform_indices = #map1}, {transform_indices = #map2}]} {
    %mul3A = arith.constant 2 : i32
    %mul3A_0 = arith.muli %arg1, %mul3A : i32
    %add3A = arith.addi %mul3A_0, %arg0 : i32
    %run_scoped3A = arith.constant 0 : i32
    "tpu.region"() ({
      %run_scoped3A_43 = tpu.sem_alloc : memref<!tpu.dma_semaphore, #tpu.memory_space<semaphore_mem>>
      %dma_start3A = arith.constant 0 : i32
      %dma_start3A_44 = arith.constant 0 : i32
      %dma_start3A_45 = arith.constant 0 : i32
      %dma_start3A_46 = tpu.memref_slice %arg3[%run_scoped3A, %dma_start3A, %dma_start3A_44, %dma_start3A_45] : memref<2x32x79x128xi32, #tpu.memory_space<hbm>> -> memref<1x32x79x128xi32, #tpu.memory_space<hbm>>
      %dma_start3A_47 = tpu.memref_squeeze %dma_start3A_46 : memref<1x32x79x128xi32, #tpu.memory_space<hbm>> -> memref<32x79x128xi32, #tpu.memory_space<hbm>>
      %dma_start3A_48 = arith.constant 0 : i32
      %dma_start3A_49 = arith.constant 0 : i32
      %dma_start3A_50 = tpu.memref_slice %dma_start3A_47[%add3A, %dma_start3A_48, %dma_start3A_49] : memref<32x79x128xi32, #tpu.memory_space<hbm>> -> memref<1x79x128xi32, #tpu.memory_space<hbm>>
      %dma_start3A_51 = tpu.memref_squeeze %dma_start3A_50 : memref<1x79x128xi32, #tpu.memory_space<hbm>> -> memref<79x128xi32, #tpu.memory_space<hbm>>
      %dma_start3A_52 = arith.constant 0 : i32
      %dma_start3A_53 = arith.constant 0 : i32
      %dma_start3A_54 = arith.constant 0 : i32
      %dma_start3A_55 = tpu.memref_slice %arg3[%run_scoped3A, %dma_start3A_52, %dma_start3A_53, %dma_start3A_54] : memref<2x32x79x128xi32, #tpu.memory_space<hbm>> -> memref<1x32x79x128xi32, #tpu.memory_space<hbm>>
      %dma_start3A_56 = tpu.memref_squeeze %dma_start3A_55 : memref<1x32x79x128xi32, #tpu.memory_space<hbm>> -> memref<32x79x128xi32, #tpu.memory_space<hbm>>
      %dma_start3A_57 = arith.constant 0 : i32
      %dma_start3A_58 = arith.constant 0 : i32
      %dma_start3A_59 = tpu.memref_slice %dma_start3A_56[%add3A, %dma_start3A_57, %dma_start3A_58] : memref<32x79x128xi32, #tpu.memory_space<hbm>> -> memref<1x79x128xi32, #tpu.memory_space<hbm>>
      %dma_start3A_60 = tpu.memref_squeeze %dma_start3A_59 : memref<1x79x128xi32, #tpu.memory_space<hbm>> -> memref<79x128xi32, #tpu.memory_space<hbm>>
      tpu.enqueue_dma source(%dma_start3A_60 : memref<79x128xi32, #tpu.memory_space<hbm>>) target(%arg5 : memref<79x128xi32, #tpu.memory_space<vmem>>) target_semaphore(%run_scoped3A_43 : memref<!tpu.dma_semaphore, #tpu.memory_space<semaphore_mem>>)
      %dma_wait3A = arith.constant 0 : i32
      %dma_wait3A_61 = arith.constant 0 : i32
      %dma_wait3A_62 = arith.constant 0 : i32
      %dma_wait3A_63 = tpu.memref_slice %arg3[%run_scoped3A, %dma_wait3A, %dma_wait3A_61, %dma_wait3A_62] : memref<2x32x79x128xi32, #tpu.memory_space<hbm>> -> memref<1x32x79x128xi32, #tpu.memory_space<hbm>>
      %dma_wait3A_64 = tpu.memref_squeeze %dma_wait3A_63 : memref<1x32x79x128xi32, #tpu.memory_space<hbm>> -> memref<32x79x128xi32, #tpu.memory_space<hbm>>
      %dma_wait3A_65 = arith.constant 0 : i32
      %dma_wait3A_66 = arith.constant 0 : i32
      %dma_wait3A_67 = tpu.memref_slice %dma_wait3A_64[%add3A, %dma_wait3A_65, %dma_wait3A_66] : memref<32x79x128xi32, #tpu.memory_space<hbm>> -> memref<1x79x128xi32, #tpu.memory_space<hbm>>
      %dma_wait3A_68 = tpu.memref_squeeze %dma_wait3A_67 : memref<1x79x128xi32, #tpu.memory_space<hbm>> -> memref<79x128xi32, #tpu.memory_space<hbm>>
      %dma_wait3A_69 = arith.constant 0 : i32
      %dma_wait3A_70 = arith.constant 0 : i32
      %dma_wait3A_71 = arith.constant 0 : i32
      %dma_wait3A_72 = tpu.memref_slice %arg3[%run_scoped3A, %dma_wait3A_69, %dma_wait3A_70, %dma_wait3A_71] : memref<2x32x79x128xi32, #tpu.memory_space<hbm>> -> memref<1x32x79x128xi32, #tpu.memory_space<hbm>>
      %dma_wait3A_73 = tpu.memref_squeeze %dma_wait3A_72 : memref<1x32x79x128xi32, #tpu.memory_space<hbm>> -> memref<32x79x128xi32, #tpu.memory_space<hbm>>
      %dma_wait3A_74 = arith.constant 0 : i32
      %dma_wait3A_75 = arith.constant 0 : i32
      %dma_wait3A_76 = tpu.memref_slice %dma_wait3A_73[%add3A, %dma_wait3A_74, %dma_wait3A_75] : memref<32x79x128xi32, #tpu.memory_space<hbm>> -> memref<1x79x128xi32, #tpu.memory_space<hbm>>
      %dma_wait3A_77 = tpu.memref_squeeze %dma_wait3A_76 : memref<1x79x128xi32, #tpu.memory_space<hbm>> -> memref<79x128xi32, #tpu.memory_space<hbm>>
      tpu.wait_dma2 semaphore(%run_scoped3A_43 : memref<!tpu.dma_semaphore, #tpu.memory_space<semaphore_mem>>) src(%dma_wait3A_77 : memref<79x128xi32, #tpu.memory_space<hbm>>) dst(%arg5 : memref<79x128xi32, #tpu.memory_space<vmem>>)
      tpu.yield
    }) : () -> ()
    %run_scoped3A_1 = arith.constant 1 : i32
    "tpu.region"() ({
      %run_scoped3A_43 = tpu.sem_alloc : memref<!tpu.dma_semaphore, #tpu.memory_space<semaphore_mem>>
      %dma_start3A = arith.constant 0 : i32
      %dma_start3A_44 = arith.constant 0 : i32
      %dma_start3A_45 = arith.constant 0 : i32
      %dma_start3A_46 = tpu.memref_slice %arg3[%run_scoped3A_1, %dma_start3A, %dma_start3A_44, %dma_start3A_45] : memref<2x32x79x128xi32, #tpu.memory_space<hbm>> -> memref<1x32x79x128xi32, #tpu.memory_space<hbm>>
      %dma_start3A_47 = tpu.memref_squeeze %dma_start3A_46 : memref<1x32x79x128xi32, #tpu.memory_space<hbm>> -> memref<32x79x128xi32, #tpu.memory_space<hbm>>
      %dma_start3A_48 = arith.constant 0 : i32
      %dma_start3A_49 = arith.constant 0 : i32
      %dma_start3A_50 = tpu.memref_slice %dma_start3A_47[%add3A, %dma_start3A_48, %dma_start3A_49] : memref<32x79x128xi32, #tpu.memory_space<hbm>> -> memref<1x79x128xi32, #tpu.memory_space<hbm>>
      %dma_start3A_51 = tpu.memref_squeeze %dma_start3A_50 : memref<1x79x128xi32, #tpu.memory_space<hbm>> -> memref<79x128xi32, #tpu.memory_space<hbm>>
      %dma_start3A_52 = arith.constant 0 : i32
      %dma_start3A_53 = arith.constant 0 : i32
      %dma_start3A_54 = arith.constant 0 : i32
      %dma_start3A_55 = tpu.memref_slice %arg3[%run_scoped3A_1, %dma_start3A_52, %dma_start3A_53, %dma_start3A_54] : memref<2x32x79x128xi32, #tpu.memory_space<hbm>> -> memref<1x32x79x128xi32, #tpu.memory_space<hbm>>
      %dma_start3A_56 = tpu.memref_squeeze %dma_start3A_55 : memref<1x32x79x128xi32, #tpu.memory_space<hbm>> -> memref<32x79x128xi32, #tpu.memory_space<hbm>>
      %dma_start3A_57 = arith.constant 0 : i32
      %dma_start3A_58 = arith.constant 0 : i32
      %dma_start3A_59 = tpu.memref_slice %dma_start3A_56[%add3A, %dma_start3A_57, %dma_start3A_58] : memref<32x79x128xi32, #tpu.memory_space<hbm>> -> memref<1x79x128xi32, #tpu.memory_space<hbm>>
      %dma_start3A_60 = tpu.memref_squeeze %dma_start3A_59 : memref<1x79x128xi32, #tpu.memory_space<hbm>> -> memref<79x128xi32, #tpu.memory_space<hbm>>
      tpu.enqueue_dma source(%dma_start3A_60 : memref<79x128xi32, #tpu.memory_space<hbm>>) target(%arg6 : memref<79x128xi32, #tpu.memory_space<vmem>>) target_semaphore(%run_scoped3A_43 : memref<!tpu.dma_semaphore, #tpu.memory_space<semaphore_mem>>)
      %dma_wait3A = arith.constant 0 : i32
      %dma_wait3A_61 = arith.constant 0 : i32
      %dma_wait3A_62 = arith.constant 0 : i32
      %dma_wait3A_63 = tpu.memref_slice %arg3[%run_scoped3A_1, %dma_wait3A, %dma_wait3A_61, %dma_wait3A_62] : memref<2x32x79x128xi32, #tpu.memory_space<hbm>> -> memref<1x32x79x128xi32, #tpu.memory_space<hbm>>
      %dma_wait3A_64 = tpu.memref_squeeze %dma_wait3A_63 : memref<1x32x79x128xi32, #tpu.memory_space<hbm>> -> memref<32x79x128xi32, #tpu.memory_space<hbm>>
      %dma_wait3A_65 = arith.constant 0 : i32
      %dma_wait3A_66 = arith.constant 0 : i32
      %dma_wait3A_67 = tpu.memref_slice %dma_wait3A_64[%add3A, %dma_wait3A_65, %dma_wait3A_66] : memref<32x79x128xi32, #tpu.memory_space<hbm>> -> memref<1x79x128xi32, #tpu.memory_space<hbm>>
      %dma_wait3A_68 = tpu.memref_squeeze %dma_wait3A_67 : memref<1x79x128xi32, #tpu.memory_space<hbm>> -> memref<79x128xi32, #tpu.memory_space<hbm>>
      %dma_wait3A_69 = arith.constant 0 : i32
      %dma_wait3A_70 = arith.constant 0 : i32
      %dma_wait3A_71 = arith.constant 0 : i32
      %dma_wait3A_72 = tpu.memref_slice %arg3[%run_scoped3A_1, %dma_wait3A_69, %dma_wait3A_70, %dma_wait3A_71] : memref<2x32x79x128xi32, #tpu.memory_space<hbm>> -> memref<1x32x79x128xi32, #tpu.memory_space<hbm>>
      %dma_wait3A_73 = tpu.memref_squeeze %dma_wait3A_72 : memref<1x32x79x128xi32, #tpu.memory_space<hbm>> -> memref<32x79x128xi32, #tpu.memory_space<hbm>>
      %dma_wait3A_74 = arith.constant 0 : i32
      %dma_wait3A_75 = arith.constant 0 : i32
      %dma_wait3A_76 = tpu.memref_slice %dma_wait3A_73[%add3A, %dma_wait3A_74, %dma_wait3A_75] : memref<32x79x128xi32, #tpu.memory_space<hbm>> -> memref<1x79x128xi32, #tpu.memory_space<hbm>>
      %dma_wait3A_77 = tpu.memref_squeeze %dma_wait3A_76 : memref<1x79x128xi32, #tpu.memory_space<hbm>> -> memref<79x128xi32, #tpu.memory_space<hbm>>
      tpu.wait_dma2 semaphore(%run_scoped3A_43 : memref<!tpu.dma_semaphore, #tpu.memory_space<semaphore_mem>>) src(%dma_wait3A_77 : memref<79x128xi32, #tpu.memory_space<hbm>>) dst(%arg6 : memref<79x128xi32, #tpu.memory_space<vmem>>)
      tpu.yield
    }) : () -> ()
    %mul3A_2 = arith.constant 626 : i32
    %mul3A_3 = arith.muli %arg1, %mul3A_2 : i32
    %mul3A_4 = arith.constant 626 : i32
    %mul3A_5 = arith.muli %arg1, %mul3A_4 : i32
    "tpu.region"() ({
      %run_scoped3A_43 = tpu.sem_alloc : memref<!tpu.dma_semaphore, #tpu.memory_space<semaphore_mem>>
      %dma_start3A = arith.constant 0 : i32
      %dma_start3A_44 = tpu.memref_slice %arg8[%mul3A_5, %dma_start3A] : memref<10016x64xf32, #tpu.memory_space<vmem_shared>> -> memref<626x64xf32, #tpu.memory_space<vmem_shared>>
      %dma_start3A_45 = arith.constant 0 : i32
      %dma_start3A_46 = tpu.memref_slice %arg2[%mul3A_3, %dma_start3A_45] : memref<10016x64xf32, #tpu.memory_space<hbm>> -> memref<626x64xf32, #tpu.memory_space<hbm>>
      tpu.enqueue_dma source(%dma_start3A_46 : memref<626x64xf32, #tpu.memory_space<hbm>>) target(%dma_start3A_44 : memref<626x64xf32, #tpu.memory_space<vmem_shared>>) target_semaphore(%run_scoped3A_43 : memref<!tpu.dma_semaphore, #tpu.memory_space<semaphore_mem>>)
      %dma_wait3A = arith.constant 0 : i32
      %dma_wait3A_47 = tpu.memref_slice %arg8[%mul3A_5, %dma_wait3A] : memref<10016x64xf32, #tpu.memory_space<vmem_shared>> -> memref<626x64xf32, #tpu.memory_space<vmem_shared>>
      %dma_wait3A_48 = arith.constant 0 : i32
      %dma_wait3A_49 = tpu.memref_slice %arg2[%mul3A_3, %dma_wait3A_48] : memref<10016x64xf32, #tpu.memory_space<hbm>> -> memref<626x64xf32, #tpu.memory_space<hbm>>
      tpu.wait_dma2 semaphore(%run_scoped3A_43 : memref<!tpu.dma_semaphore, #tpu.memory_space<semaphore_mem>>) src(%dma_wait3A_49 : memref<626x64xf32, #tpu.memory_space<hbm>>) dst(%dma_wait3A_47 : memref<626x64xf32, #tpu.memory_space<vmem_shared>>)
      tpu.yield
    }) : () -> ()
    %broadcast_in_dim3A = arith.constant 0.000000e+00 : f32
    %broadcast_in_dim3A_6 = vector.broadcast %broadcast_in_dim3A : f32 to vector<16xf32>
    %scan3A = arith.constant 0 : i32
    %scan3A_7 = arith.constant 0 : i32
    %scan3A_8 = arith.constant 512 : i32
    %scan3A_9 = arith.addi %scan3A_7, %scan3A_8 : i32
    %scan3A_10 = arith.constant 1 : i32
    scf.for %scan3A_43 = %scan3A_7 to %scan3A_9 step %scan3A_10  : i32 {
      %jit3A = arith.constant 4 : i32
      %div3A = arith.divsi %scan3A_43, %jit3A : i32
      %sign3A = arith.constant 0 : i32
      %sign3A_44 = arith.cmpi sgt, %scan3A_43, %sign3A : i32
      %sign3A_45 = arith.extui %sign3A_44 : i1 to i32
      %sign3A_46 = arith.constant 0 : i32
      %sign3A_47 = arith.cmpi slt, %scan3A_43, %sign3A_46 : i32
      %sign3A_48 = arith.extui %sign3A_47 : i1 to i32
      %sign3A_49 = arith.subi %sign3A_45, %sign3A_48 : i32
      %sign3A_50 = arith.constant 0 : i32
      %sign3A_51 = arith.cmpi sgt, %jit3A, %sign3A_50 : i32
      %sign3A_52 = arith.extui %sign3A_51 : i1 to i32
      %sign3A_53 = arith.constant 0 : i32
      %sign3A_54 = arith.cmpi slt, %jit3A, %sign3A_53 : i32
      %sign3A_55 = arith.extui %sign3A_54 : i1 to i32
      %sign3A_56 = arith.subi %sign3A_52, %sign3A_55 : i32
      %ne3A = arith.cmpi ne, %sign3A_49, %sign3A_56 : i32
      %rem3A = arith.remsi %scan3A_43, %jit3A : i32
      %ne3A_57 = arith.constant 0 : i32
      %ne3A_58 = arith.cmpi ne, %rem3A, %ne3A_57 : i32
      %and3A = arith.andi %ne3A, %ne3A_58 : i1
      %sub3A = arith.constant 1 : i32
      %sub3A_59 = arith.subi %div3A, %sub3A : i32
      %select_n3A = arith.select %and3A, %sub3A_59, %div3A : i32
      %jit3A_60 = arith.constant 4 : i32
      %eq3A = arith.constant 0 : i32
      %eq3A_61 = arith.cmpi eq, %jit3A_60, %eq3A : i32
      %jit3A_62 = arith.constant 1 : i32
      %select_n3A_63 = arith.select %eq3A_61, %jit3A_62, %jit3A_60 : i32
      %rem3A_64 = arith.remsi %scan3A_43, %select_n3A_63 : i32
      %ne3A_65 = arith.constant 0 : i32
      %ne3A_66 = arith.cmpi ne, %rem3A_64, %ne3A_65 : i32
      %lt3A = arith.constant 0 : i32
      %lt3A_67 = arith.cmpi slt, %rem3A_64, %lt3A : i32
      %lt3A_68 = arith.constant 0 : i32
      %lt3A_69 = arith.cmpi slt, %select_n3A_63, %lt3A_68 : i32
      %ne3A_70 = arith.xori %lt3A_67, %lt3A_69 : i1
      %and3A_71 = arith.andi %ne3A_70, %ne3A_66 : i1
      %add3A_72 = arith.addi %rem3A_64, %select_n3A_63 : i32
      %select_n3A_73 = arith.select %and3A_71, %add3A_72, %rem3A_64 : i32
      %mul3A_74 = arith.constant 16 : i32
      %mul3A_75 = arith.muli %select_n3A_73, %mul3A_74 : i32
      %swap3A = arith.index_cast %select_n3A : i32 to index
      %swap3A_76 = arith.index_cast %mul3A_75 : i32 to index
      %swap3A_77 = tpu.vector_load %arg7[%swap3A, %swap3A_76] {strides = array<i32>} : memref<128x64xf32, #tpu.memory_space<vmem>>, vector<1x16xf32>,
      %swap3A_78 = vector.shape_cast %swap3A_77 : vector<1x16xf32> to vector<16xf32>
      %swap3A_79 = vector.shape_cast %broadcast_in_dim3A_6 : vector<16xf32> to vector<1x16xf32>
      tpu.vector_store %arg7[%swap3A, %swap3A_76], %swap3A_79 {strides = array<i32>} : memref<128x64xf32, #tpu.memory_space<vmem>>, vector<1x16xf32>,
    }
    %scan3A_11 = arith.constant 512 : i32
    %mul3A_12 = arith.constant 640 : i32
    %mul3A_13 = arith.muli %arg1, %mul3A_12 : i32
    %add3A_14 = arith.constant 0 : i32
    %add3A_15 = arith.addi %mul3A_13, %add3A_14 : i32
    "tpu.region"() ({
      %run_scoped3A_43 = tpu.sem_alloc : memref<!tpu.dma_semaphore, #tpu.memory_space<semaphore_mem>>
      %dma_start3A = arith.constant 0 : i32
      %dma_start3A_44 = arith.constant 0 : i32
      %dma_start3A_45 = tpu.memref_slice %arg7[%dma_start3A, %dma_start3A_44] : memref<128x64xf32, #tpu.memory_space<vmem>> -> memref<128x64xf32, #tpu.memory_space<vmem>>
      %dma_start3A_46 = arith.constant 0 : i32
      %dma_start3A_47 = tpu.memref_slice %arg9[%add3A_15, %dma_start3A_46] : memref<10240x64xf32, #tpu.memory_space<vmem_shared>> -> memref<128x64xf32, #tpu.memory_space<vmem_shared>>
      %dma_start3A_48 = arith.constant 0 : i32
      %dma_start3A_49 = tpu.memref_slice %arg9[%add3A_15, %dma_start3A_48] : memref<10240x64xf32, #tpu.memory_space<vmem_shared>> -> memref<128x64xf32, #tpu.memory_space<vmem_shared>>
      %dma_start3A_50 = arith.constant 0 : i32
      %dma_start3A_51 = arith.constant 0 : i32
      %dma_start3A_52 = tpu.memref_slice %arg7[%dma_start3A_50, %dma_start3A_51] : memref<128x64xf32, #tpu.memory_space<vmem>> -> memref<128x64xf32, #tpu.memory_space<vmem>>
      tpu.enqueue_dma source(%dma_start3A_52 : memref<128x64xf32, #tpu.memory_space<vmem>>) target(%dma_start3A_49 : memref<128x64xf32, #tpu.memory_space<vmem_shared>>) target_semaphore(%run_scoped3A_43 : memref<!tpu.dma_semaphore, #tpu.memory_space<semaphore_mem>>)
      %dma_wait3A = arith.constant 0 : i32
      %dma_wait3A_53 = arith.constant 0 : i32
      %dma_wait3A_54 = tpu.memref_slice %arg7[%dma_wait3A, %dma_wait3A_53] : memref<128x64xf32, #tpu.memory_space<vmem>> -> memref<128x64xf32, #tpu.memory_space<vmem>>
      %dma_wait3A_55 = arith.constant 0 : i32
      %dma_wait3A_56 = tpu.memref_slice %arg9[%add3A_15, %dma_wait3A_55] : memref<10240x64xf32, #tpu.memory_space<vmem_shared>> -> memref<128x64xf32, #tpu.memory_space<vmem_shared>>
      %dma_wait3A_57 = arith.constant 0 : i32
      %dma_wait3A_58 = tpu.memref_slice %arg9[%add3A_15, %dma_wait3A_57] : memref<10240x64xf32, #tpu.memory_space<vmem_shared>> -> memref<128x64xf32, #tpu.memory_space<vmem_shared>>
      %dma_wait3A_59 = arith.constant 0 : i32
      %dma_wait3A_60 = arith.constant 0 : i32
      %dma_wait3A_61 = tpu.memref_slice %arg7[%dma_wait3A_59, %dma_wait3A_60] : memref<128x64xf32, #tpu.memory_space<vmem>> -> memref<128x64xf32, #tpu.memory_space<vmem>>
      tpu.wait_dma2 semaphore(%run_scoped3A_43 : memref<!tpu.dma_semaphore, #tpu.memory_space<semaphore_mem>>) src(%dma_wait3A_61 : memref<128x64xf32, #tpu.memory_space<vmem>>) dst(%dma_wait3A_58 : memref<128x64xf32, #tpu.memory_space<vmem_shared>>)
      tpu.yield
    }) : () -> ()
    %mul3A_16 = arith.constant 640 : i32
    %mul3A_17 = arith.muli %arg1, %mul3A_16 : i32
    %add3A_18 = arith.constant 128 : i32
    %add3A_19 = arith.addi %mul3A_17, %add3A_18 : i32
    "tpu.region"() ({
      %run_scoped3A_43 = tpu.sem_alloc : memref<!tpu.dma_semaphore, #tpu.memory_space<semaphore_mem>>
      %dma_start3A = arith.constant 0 : i32
      %dma_start3A_44 = arith.constant 0 : i32
      %dma_start3A_45 = tpu.memref_slice %arg7[%dma_start3A, %dma_start3A_44] : memref<128x64xf32, #tpu.memory_space<vmem>> -> memref<128x64xf32, #tpu.memory_space<vmem>>
      %dma_start3A_46 = arith.constant 0 : i32
      %dma_start3A_47 = tpu.memref_slice %arg9[%add3A_19, %dma_start3A_46] : memref<10240x64xf32, #tpu.memory_space<vmem_shared>> -> memref<128x64xf32, #tpu.memory_space<vmem_shared>>
      %dma_start3A_48 = arith.constant 0 : i32
      %dma_start3A_49 = tpu.memref_slice %arg9[%add3A_19, %dma_start3A_48] : memref<10240x64xf32, #tpu.memory_space<vmem_shared>> -> memref<128x64xf32, #tpu.memory_space<vmem_shared>>
      %dma_start3A_50 = arith.constant 0 : i32
      %dma_start3A_51 = arith.constant 0 : i32
      %dma_start3A_52 = tpu.memref_slice %arg7[%dma_start3A_50, %dma_start3A_51] : memref<128x64xf32, #tpu.memory_space<vmem>> -> memref<128x64xf32, #tpu.memory_space<vmem>>
      tpu.enqueue_dma source(%dma_start3A_52 : memref<128x64xf32, #tpu.memory_space<vmem>>) target(%dma_start3A_49 : memref<128x64xf32, #tpu.memory_space<vmem_shared>>) target_semaphore(%run_scoped3A_43 : memref<!tpu.dma_semaphore, #tpu.memory_space<semaphore_mem>>)
      %dma_wait3A = arith.constant 0 : i32
      %dma_wait3A_53 = arith.constant 0 : i32
      %dma_wait3A_54 = tpu.memref_slice %arg7[%dma_wait3A, %dma_wait3A_53] : memref<128x64xf32, #tpu.memory_space<vmem>> -> memref<128x64xf32, #tpu.memory_space<vmem>>
      %dma_wait3A_55 = arith.constant 0 : i32
      %dma_wait3A_56 = tpu.memref_slice %arg9[%add3A_19, %dma_wait3A_55] : memref<10240x64xf32, #tpu.memory_space<vmem_shared>> -> memref<128x64xf32, #tpu.memory_space<vmem_shared>>
      %dma_wait3A_57 = arith.constant 0 : i32
      %dma_wait3A_58 = tpu.memref_slice %arg9[%add3A_19, %dma_wait3A_57] : memref<10240x64xf32, #tpu.memory_space<vmem_shared>> -> memref<128x64xf32, #tpu.memory_space<vmem_shared>>
      %dma_wait3A_59 = arith.constant 0 : i32
      %dma_wait3A_60 = arith.constant 0 : i32
      %dma_wait3A_61 = tpu.memref_slice %arg7[%dma_wait3A_59, %dma_wait3A_60] : memref<128x64xf32, #tpu.memory_space<vmem>> -> memref<128x64xf32, #tpu.memory_space<vmem>>
      tpu.wait_dma2 semaphore(%run_scoped3A_43 : memref<!tpu.dma_semaphore, #tpu.memory_space<semaphore_mem>>) src(%dma_wait3A_61 : memref<128x64xf32, #tpu.memory_space<vmem>>) dst(%dma_wait3A_58 : memref<128x64xf32, #tpu.memory_space<vmem_shared>>)
      tpu.yield
    }) : () -> ()
    %mul3A_20 = arith.constant 640 : i32
    %mul3A_21 = arith.muli %arg1, %mul3A_20 : i32
    %add3A_22 = arith.constant 256 : i32
    %add3A_23 = arith.addi %mul3A_21, %add3A_22 : i32
    "tpu.region"() ({
      %run_scoped3A_43 = tpu.sem_alloc : memref<!tpu.dma_semaphore, #tpu.memory_space<semaphore_mem>>
      %dma_start3A = arith.constant 0 : i32
      %dma_start3A_44 = arith.constant 0 : i32
      %dma_start3A_45 = tpu.memref_slice %arg7[%dma_start3A, %dma_start3A_44] : memref<128x64xf32, #tpu.memory_space<vmem>> -> memref<128x64xf32, #tpu.memory_space<vmem>>
      %dma_start3A_46 = arith.constant 0 : i32
      %dma_start3A_47 = tpu.memref_slice %arg9[%add3A_23, %dma_start3A_46] : memref<10240x64xf32, #tpu.memory_space<vmem_shared>> -> memref<128x64xf32, #tpu.memory_space<vmem_shared>>
      %dma_start3A_48 = arith.constant 0 : i32
      %dma_start3A_49 = tpu.memref_slice %arg9[%add3A_23, %dma_start3A_48] : memref<10240x64xf32, #tpu.memory_space<vmem_shared>> -> memref<128x64xf32, #tpu.memory_space<vmem_shared>>
      %dma_start3A_50 = arith.constant 0 : i32
      %dma_start3A_51 = arith.constant 0 : i32
      %dma_start3A_52 = tpu.memref_slice %arg7[%dma_start3A_50, %dma_start3A_51] : memref<128x64xf32, #tpu.memory_space<vmem>> -> memref<128x64xf32, #tpu.memory_space<vmem>>
      tpu.enqueue_dma source(%dma_start3A_52 : memref<128x64xf32, #tpu.memory_space<vmem>>) target(%dma_start3A_49 : memref<128x64xf32, #tpu.memory_space<vmem_shared>>) target_semaphore(%run_scoped3A_43 : memref<!tpu.dma_semaphore, #tpu.memory_space<semaphore_mem>>)
      %dma_wait3A = arith.constant 0 : i32
      %dma_wait3A_53 = arith.constant 0 : i32
      %dma_wait3A_54 = tpu.memref_slice %arg7[%dma_wait3A, %dma_wait3A_53] : memref<128x64xf32, #tpu.memory_space<vmem>> -> memref<128x64xf32, #tpu.memory_space<vmem>>
      %dma_wait3A_55 = arith.constant 0 : i32
      %dma_wait3A_56 = tpu.memref_slice %arg9[%add3A_23, %dma_wait3A_55] : memref<10240x64xf32, #tpu.memory_space<vmem_shared>> -> memref<128x64xf32, #tpu.memory_space<vmem_shared>>
      %dma_wait3A_57 = arith.constant 0 : i32
      %dma_wait3A_58 = tpu.memref_slice %arg9[%add3A_23, %dma_wait3A_57] : memref<10240x64xf32, #tpu.memory_space<vmem_shared>> -> memref<128x64xf32, #tpu.memory_space<vmem_shared>>
      %dma_wait3A_59 = arith.constant 0 : i32
      %dma_wait3A_60 = arith.constant 0 : i32
      %dma_wait3A_61 = tpu.memref_slice %arg7[%dma_wait3A_59, %dma_wait3A_60] : memref<128x64xf32, #tpu.memory_space<vmem>> -> memref<128x64xf32, #tpu.memory_space<vmem>>
      tpu.wait_dma2 semaphore(%run_scoped3A_43 : memref<!tpu.dma_semaphore, #tpu.memory_space<semaphore_mem>>) src(%dma_wait3A_61 : memref<128x64xf32, #tpu.memory_space<vmem>>) dst(%dma_wait3A_58 : memref<128x64xf32, #tpu.memory_space<vmem_shared>>)
      tpu.yield
    }) : () -> ()
    %mul3A_24 = arith.constant 640 : i32
    %mul3A_25 = arith.muli %arg1, %mul3A_24 : i32
    %add3A_26 = arith.constant 384 : i32
    %add3A_27 = arith.addi %mul3A_25, %add3A_26 : i32
    "tpu.region"() ({
      %run_scoped3A_43 = tpu.sem_alloc : memref<!tpu.dma_semaphore, #tpu.memory_space<semaphore_mem>>
      %dma_start3A = arith.constant 0 : i32
      %dma_start3A_44 = arith.constant 0 : i32
      %dma_start3A_45 = tpu.memref_slice %arg7[%dma_start3A, %dma_start3A_44] : memref<128x64xf32, #tpu.memory_space<vmem>> -> memref<128x64xf32, #tpu.memory_space<vmem>>
      %dma_start3A_46 = arith.constant 0 : i32
      %dma_start3A_47 = tpu.memref_slice %arg9[%add3A_27, %dma_start3A_46] : memref<10240x64xf32, #tpu.memory_space<vmem_shared>> -> memref<128x64xf32, #tpu.memory_space<vmem_shared>>
      %dma_start3A_48 = arith.constant 0 : i32
      %dma_start3A_49 = tpu.memref_slice %arg9[%add3A_27, %dma_start3A_48] : memref<10240x64xf32, #tpu.memory_space<vmem_shared>> -> memref<128x64xf32, #tpu.memory_space<vmem_shared>>
      %dma_start3A_50 = arith.constant 0 : i32
      %dma_start3A_51 = arith.constant 0 : i32
      %dma_start3A_52 = tpu.memref_slice %arg7[%dma_start3A_50, %dma_start3A_51] : memref<128x64xf32, #tpu.memory_space<vmem>> -> memref<128x64xf32, #tpu.memory_space<vmem>>
      tpu.enqueue_dma source(%dma_start3A_52 : memref<128x64xf32, #tpu.memory_space<vmem>>) target(%dma_start3A_49 : memref<128x64xf32, #tpu.memory_space<vmem_shared>>) target_semaphore(%run_scoped3A_43 : memref<!tpu.dma_semaphore, #tpu.memory_space<semaphore_mem>>)
      %dma_wait3A = arith.constant 0 : i32
      %dma_wait3A_53 = arith.constant 0 : i32
      %dma_wait3A_54 = tpu.memref_slice %arg7[%dma_wait3A, %dma_wait3A_53] : memref<128x64xf32, #tpu.memory_space<vmem>> -> memref<128x64xf32, #tpu.memory_space<vmem>>
      %dma_wait3A_55 = arith.constant 0 : i32
      %dma_wait3A_56 = tpu.memref_slice %arg9[%add3A_27, %dma_wait3A_55] : memref<10240x64xf32, #tpu.memory_space<vmem_shared>> -> memref<128x64xf32, #tpu.memory_space<vmem_shared>>
      %dma_wait3A_57 = arith.constant 0 : i32
      %dma_wait3A_58 = tpu.memref_slice %arg9[%add3A_27, %dma_wait3A_57] : memref<10240x64xf32, #tpu.memory_space<vmem_shared>> -> memref<128x64xf32, #tpu.memory_space<vmem_shared>>
      %dma_wait3A_59 = arith.constant 0 : i32
      %dma_wait3A_60 = arith.constant 0 : i32
      %dma_wait3A_61 = tpu.memref_slice %arg7[%dma_wait3A_59, %dma_wait3A_60] : memref<128x64xf32, #tpu.memory_space<vmem>> -> memref<128x64xf32, #tpu.memory_space<vmem>>
      tpu.wait_dma2 semaphore(%run_scoped3A_43 : memref<!tpu.dma_semaphore, #tpu.memory_space<semaphore_mem>>) src(%dma_wait3A_61 : memref<128x64xf32, #tpu.memory_space<vmem>>) dst(%dma_wait3A_58 : memref<128x64xf32, #tpu.memory_space<vmem_shared>>)
      tpu.yield
    }) : () -> ()
    %mul3A_28 = arith.constant 640 : i32
    %mul3A_29 = arith.muli %arg1, %mul3A_28 : i32
    %add3A_30 = arith.constant 512 : i32
    %add3A_31 = arith.addi %mul3A_29, %add3A_30 : i32
    "tpu.region"() ({
      %run_scoped3A_43 = tpu.sem_alloc : memref<!tpu.dma_semaphore, #tpu.memory_space<semaphore_mem>>
      %dma_start3A = arith.constant 0 : i32
      %dma_start3A_44 = arith.constant 0 : i32
      %dma_start3A_45 = tpu.memref_slice %arg7[%dma_start3A, %dma_start3A_44] : memref<128x64xf32, #tpu.memory_space<vmem>> -> memref<128x64xf32, #tpu.memory_space<vmem>>
      %dma_start3A_46 = arith.constant 0 : i32
      %dma_start3A_47 = tpu.memref_slice %arg9[%add3A_31, %dma_start3A_46] : memref<10240x64xf32, #tpu.memory_space<vmem_shared>> -> memref<128x64xf32, #tpu.memory_space<vmem_shared>>
      %dma_start3A_48 = arith.constant 0 : i32
      %dma_start3A_49 = tpu.memref_slice %arg9[%add3A_31, %dma_start3A_48] : memref<10240x64xf32, #tpu.memory_space<vmem_shared>> -> memref<128x64xf32, #tpu.memory_space<vmem_shared>>
      %dma_start3A_50 = arith.constant 0 : i32
      %dma_start3A_51 = arith.constant 0 : i32
      %dma_start3A_52 = tpu.memref_slice %arg7[%dma_start3A_50, %dma_start3A_51] : memref<128x64xf32, #tpu.memory_space<vmem>> -> memref<128x64xf32, #tpu.memory_space<vmem>>
      tpu.enqueue_dma source(%dma_start3A_52 : memref<128x64xf32, #tpu.memory_space<vmem>>) target(%dma_start3A_49 : memref<128x64xf32, #tpu.memory_space<vmem_shared>>) target_semaphore(%run_scoped3A_43 : memref<!tpu.dma_semaphore, #tpu.memory_space<semaphore_mem>>)
      %dma_wait3A = arith.constant 0 : i32
      %dma_wait3A_53 = arith.constant 0 : i32
      %dma_wait3A_54 = tpu.memref_slice %arg7[%dma_wait3A, %dma_wait3A_53] : memref<128x64xf32, #tpu.memory_space<vmem>> -> memref<128x64xf32, #tpu.memory_space<vmem>>
      %dma_wait3A_55 = arith.constant 0 : i32
      %dma_wait3A_56 = tpu.memref_slice %arg9[%add3A_31, %dma_wait3A_55] : memref<10240x64xf32, #tpu.memory_space<vmem_shared>> -> memref<128x64xf32, #tpu.memory_space<vmem_shared>>
      %dma_wait3A_57 = arith.constant 0 : i32
      %dma_wait3A_58 = tpu.memref_slice %arg9[%add3A_31, %dma_wait3A_57] : memref<10240x64xf32, #tpu.memory_space<vmem_shared>> -> memref<128x64xf32, #tpu.memory_space<vmem_shared>>
      %dma_wait3A_59 = arith.constant 0 : i32
      %dma_wait3A_60 = arith.constant 0 : i32
      %dma_wait3A_61 = tpu.memref_slice %arg7[%dma_wait3A_59, %dma_wait3A_60] : memref<128x64xf32, #tpu.memory_space<vmem>> -> memref<128x64xf32, #tpu.memory_space<vmem>>
      tpu.wait_dma2 semaphore(%run_scoped3A_43 : memref<!tpu.dma_semaphore, #tpu.memory_space<semaphore_mem>>) src(%dma_wait3A_61 : memref<128x64xf32, #tpu.memory_space<vmem>>) dst(%dma_wait3A_58 : memref<128x64xf32, #tpu.memory_space<vmem_shared>>)
      tpu.yield
    }) : () -> ()
    %barrier3A = arith.constant 0 : index
    tpu.barrier barrier_id(%barrier3A)
    %scan3A_32 = arith.constant 0 : i32
    %scan3A_33 = arith.constant 0 : i32
    %scan3A_34 = arith.constant 79 : i32
    %scan3A_35 = arith.addi %scan3A_33, %scan3A_34 : i32
    %scan3A_36 = arith.constant 1 : i32
    scf.for %scan3A_43 = %scan3A_33 to %scan3A_35 step %scan3A_36  : i32 {
      %dma_start3A = arith.constant 0 : i32
      %dma_start3A_44 = tpu.memref_slice %arg5[%scan3A_43, %dma_start3A] : memref<79x128xi32, #tpu.memory_space<vmem>> -> memref<1x128xi32, #tpu.memory_space<vmem>>
      %dma_start3A_45 = tpu.memref_squeeze %dma_start3A_44 : memref<1x128xi32, #tpu.memory_space<vmem>> -> memref<128xi32, #tpu.memory_space<vmem>>
      %dma_start3A_46 = arith.constant 0 : i32
      %dma_start3A_47 = arith.constant 0 : i32
      %dma_start3A_48 = tpu.memref_slice %arg8[%dma_start3A_46, %dma_start3A_47] : memref<10016x64xf32, #tpu.memory_space<vmem_shared>> -> memref<10016x64xf32, #tpu.memory_space<vmem_shared>>
      tpu.enqueue_indirect_dma source(%dma_start3A_48 : memref<10016x64xf32, #tpu.memory_space<vmem_shared>>) target(%arg7 : memref<128x64xf32, #tpu.memory_space<vmem>>) offsets(%dma_start3A_45 : memref<128xi32, #tpu.memory_space<vmem>>) semaphore(%arg10 : memref<!tpu.dma_semaphore, #tpu.memory_space<semaphore_mem>>)
      %dma_wait3A = arith.constant 0 : i32
      %dma_wait3A_49 = tpu.memref_slice %arg5[%scan3A_43, %dma_wait3A] : memref<79x128xi32, #tpu.memory_space<vmem>> -> memref<1x128xi32, #tpu.memory_space<vmem>>
      %dma_wait3A_50 = tpu.memref_squeeze %dma_wait3A_49 : memref<1x128xi32, #tpu.memory_space<vmem>> -> memref<128xi32, #tpu.memory_space<vmem>>
      %dma_wait3A_51 = arith.constant 0 : i32
      %dma_wait3A_52 = arith.constant 0 : i32
      %dma_wait3A_53 = tpu.memref_slice %arg8[%dma_wait3A_51, %dma_wait3A_52] : memref<10016x64xf32, #tpu.memory_space<vmem_shared>> -> memref<10016x64xf32, #tpu.memory_space<vmem_shared>>
      tpu.wait_indirect_dma semaphore(%arg10 : memref<!tpu.dma_semaphore, #tpu.memory_space<semaphore_mem>>) src(%dma_wait3A_53 : memref<10016x64xf32, #tpu.memory_space<vmem_shared>>) dst(%arg7 : memref<128x64xf32, #tpu.memory_space<vmem>>)
      "tpu.region"() ({
        %run_scoped3A_54 = tpu.sem_alloc : memref<!tpu.dma_semaphore, #tpu.memory_space<semaphore_mem>>
        %dma_start3A_55 = arith.constant 0 : i32
        %dma_start3A_56 = tpu.memref_slice %arg6[%scan3A_43, %dma_start3A_55] : memref<79x128xi32, #tpu.memory_space<vmem>> -> memref<1x128xi32, #tpu.memory_space<vmem>>
        %dma_start3A_57 = tpu.memref_squeeze %dma_start3A_56 : memref<1x128xi32, #tpu.memory_space<vmem>> -> memref<128xi32, #tpu.memory_space<vmem>>
        %dma_start3A_58 = arith.constant 0 : i32
        %dma_start3A_59 = arith.constant 0 : i32
        %dma_start3A_60 = tpu.memref_slice %arg9[%dma_start3A_58, %dma_start3A_59] : memref<10240x64xf32, #tpu.memory_space<vmem_shared>> -> memref<10240x64xf32, #tpu.memory_space<vmem_shared>>
        tpu.enqueue_indirect_dma source(%arg7 : memref<128x64xf32, #tpu.memory_space<vmem>>) target(%dma_start3A_60 : memref<10240x64xf32, #tpu.memory_space<vmem_shared>>) offsets(%dma_start3A_57 : memref<128xi32, #tpu.memory_space<vmem>>) semaphore(%run_scoped3A_54 : memref<!tpu.dma_semaphore, #tpu.memory_space<semaphore_mem>>) {add = true}
        %dma_wait3A_61 = arith.constant 0 : i32
        %dma_wait3A_62 = tpu.memref_slice %arg6[%scan3A_43, %dma_wait3A_61] : memref<79x128xi32, #tpu.memory_space<vmem>> -> memref<1x128xi32, #tpu.memory_space<vmem>>
        %dma_wait3A_63 = tpu.memref_squeeze %dma_wait3A_62 : memref<1x128xi32, #tpu.memory_space<vmem>> -> memref<128xi32, #tpu.memory_space<vmem>>
        %dma_wait3A_64 = arith.constant 0 : i32
        %dma_wait3A_65 = arith.constant 0 : i32
        %dma_wait3A_66 = tpu.memref_slice %arg9[%dma_wait3A_64, %dma_wait3A_65] : memref<10240x64xf32, #tpu.memory_space<vmem_shared>> -> memref<10240x64xf32, #tpu.memory_space<vmem_shared>>
        tpu.wait_indirect_dma semaphore(%run_scoped3A_54 : memref<!tpu.dma_semaphore, #tpu.memory_space<semaphore_mem>>) src(%arg7 : memref<128x64xf32, #tpu.memory_space<vmem>>) dst(%dma_wait3A_66 : memref<10240x64xf32, #tpu.memory_space<vmem_shared>>)
        tpu.yield
      }) : () -> ()
    }
    %scan3A_37 = arith.constant 79 : i32
    %barrier3A_38 = arith.constant 0 : index
    tpu.barrier barrier_id(%barrier3A_38)
    %mul3A_39 = arith.constant 640 : i32
    %mul3A_40 = arith.muli %arg1, %mul3A_39 : i32
    %mul3A_41 = arith.constant 640 : i32
    %mul3A_42 = arith.muli %arg1, %mul3A_41 : i32
    "tpu.region"() ({
      %run_scoped3A_43 = tpu.sem_alloc : memref<!tpu.dma_semaphore, #tpu.memory_space<semaphore_mem>>
      %dma_start3A = arith.constant 0 : i32
      %dma_start3A_44 = arith.constant 0 : i32
      %dma_start3A_45 = tpu.memref_slice %arg4[%arg0, %dma_start3A, %dma_start3A_44] : memref<2x10240x64xf32, #tpu.memory_space<hbm>> -> memref<1x10240x64xf32, #tpu.memory_space<hbm>>
      %dma_start3A_46 = tpu.memref_squeeze %dma_start3A_45 : memref<1x10240x64xf32, #tpu.memory_space<hbm>> -> memref<10240x64xf32, #tpu.memory_space<hbm>>
      %dma_start3A_47 = arith.constant 0 : i32
      %dma_start3A_48 = tpu.memref_slice %dma_start3A_46[%mul3A_42, %dma_start3A_47] : memref<10240x64xf32, #tpu.memory_space<hbm>> -> memref<640x64xf32, #tpu.memory_space<hbm>>
      %dma_start3A_49 = arith.constant 0 : i32
      %dma_start3A_50 = tpu.memref_slice %arg9[%mul3A_40, %dma_start3A_49] : memref<10240x64xf32, #tpu.memory_space<vmem_shared>> -> memref<640x64xf32, #tpu.memory_space<vmem_shared>>
      tpu.enqueue_dma source(%dma_start3A_50 : memref<640x64xf32, #tpu.memory_space<vmem_shared>>) target(%dma_start3A_48 : memref<640x64xf32, #tpu.memory_space<hbm>>) target_semaphore(%run_scoped3A_43 : memref<!tpu.dma_semaphore, #tpu.memory_space<semaphore_mem>>)
      %dma_wait3A = arith.constant 0 : i32
      %dma_wait3A_51 = arith.constant 0 : i32
      %dma_wait3A_52 = tpu.memref_slice %arg4[%arg0, %dma_wait3A, %dma_wait3A_51] : memref<2x10240x64xf32, #tpu.memory_space<hbm>> -> memref<1x10240x64xf32, #tpu.memory_space<hbm>>
      %dma_wait3A_53 = tpu.memref_squeeze %dma_wait3A_52 : memref<1x10240x64xf32, #tpu.memory_space<hbm>> -> memref<10240x64xf32, #tpu.memory_space<hbm>>
      %dma_wait3A_54 = arith.constant 0 : i32
      %dma_wait3A_55 = tpu.memref_slice %dma_wait3A_53[%mul3A_42, %dma_wait3A_54] : memref<10240x64xf32, #tpu.memory_space<hbm>> -> memref<640x64xf32, #tpu.memory_space<hbm>>
      %dma_wait3A_56 = arith.constant 0 : i32
      %dma_wait3A_57 = tpu.memref_slice %arg9[%mul3A_40, %dma_wait3A_56] : memref<10240x64xf32, #tpu.memory_space<vmem_shared>> -> memref<640x64xf32, #tpu.memory_space<vmem_shared>>
      tpu.wait_dma2 semaphore(%run_scoped3A_43 : memref<!tpu.dma_semaphore, #tpu.memory_space<semaphore_mem>>) src(%dma_wait3A_57 : memref<640x64xf32, #tpu.memory_space<vmem_shared>>) dst(%dma_wait3A_55 : memref<640x64xf32, #tpu.memory_space<hbm>>)
      tpu.yield
    }) : () -> ()
    return
  }
}

#map = affine_map<(d0, d1) -> (0, 0)>
#map1 = affine_map<(d0, d1) -> (0, 0, 0, 0)>
#map2 = affine_map<(d0, d1) -> (0, 0, 0)>
module attributes {stable_mosaic.version = 14 : i64} {
  func.func @_sc_scatter_body(%arg0: i32, %arg1: i32, %arg2: memref<10016x16xf32, #tpu.memory_space<hbm>>, %arg3: memref<2x32x79x128xi32, #tpu.memory_space<hbm>>, %arg4: memref<2x10240x16xf32, #tpu.memory_space<hbm>>, %arg5: memref<79x128xi32, #tpu.memory_space<vmem>>, %arg6: memref<79x128xi32, #tpu.memory_space<vmem>>, %arg7: memref<128x16xf32, #tpu.memory_space<vmem>>, %arg8: memref<10016x16xf32, #tpu.memory_space<vmem_shared>>, %arg9: memref<10240x16xf32, #tpu.memory_space<vmem_shared>>, %arg10: memref<!tpu.dma_semaphore, #tpu.memory_space<semaphore_mem>>) attributes {dimension_semantics = [#tpu.dimension_semantics<core_parallel>, #tpu.dimension_semantics<subcore_parallel>], iteration_bounds = array<i64: 2, 16>, scalar_prefetch = 0 : i64, scratch_operands = 6 : i64, tpu.core_type = #tpu.core_type<sc_vector_subcore>, window_params = [{transform_indices = #map}, {transform_indices = #map1}, {transform_indices = #map2}]} {
    %mul3A = arith.constant 2 : i32
    %mul3A_0 = arith.muli %arg1, %mul3A : i32
    %add3A = arith.addi %mul3A_0, %arg0 : i32
    %run_scoped3A = arith.constant 0 : i32
    "tpu.region"() ({
      %run_scoped3A_43 = tpu.sem_alloc : memref<!tpu.dma_semaphore, #tpu.memory_space<semaphore_mem>>
      %dma_start3A = arith.constant 0 : i32
      %dma_start3A_44 = arith.constant 0 : i32
      %dma_start3A_45 = arith.constant 0 : i32
      %dma_start3A_46 = tpu.memref_slice %arg3[%run_scoped3A, %dma_start3A, %dma_start3A_44, %dma_start3A_45] : memref<2x32x79x128xi32, #tpu.memory_space<hbm>> -> memref<1x32x79x128xi32, #tpu.memory_space<hbm>>
      %dma_start3A_47 = tpu.memref_squeeze %dma_start3A_46 : memref<1x32x79x128xi32, #tpu.memory_space<hbm>> -> memref<32x79x128xi32, #tpu.memory_space<hbm>>
      %dma_start3A_48 = arith.constant 0 : i32
      %dma_start3A_49 = arith.constant 0 : i32
      %dma_start3A_50 = tpu.memref_slice %dma_start3A_47[%add3A, %dma_start3A_48, %dma_start3A_49] : memref<32x79x128xi32, #tpu.memory_space<hbm>> -> memref<1x79x128xi32, #tpu.memory_space<hbm>>
      %dma_start3A_51 = tpu.memref_squeeze %dma_start3A_50 : memref<1x79x128xi32, #tpu.memory_space<hbm>> -> memref<79x128xi32, #tpu.memory_space<hbm>>
      %dma_start3A_52 = arith.constant 0 : i32
      %dma_start3A_53 = arith.constant 0 : i32
      %dma_start3A_54 = arith.constant 0 : i32
      %dma_start3A_55 = tpu.memref_slice %arg3[%run_scoped3A, %dma_start3A_52, %dma_start3A_53, %dma_start3A_54] : memref<2x32x79x128xi32, #tpu.memory_space<hbm>> -> memref<1x32x79x128xi32, #tpu.memory_space<hbm>>
      %dma_start3A_56 = tpu.memref_squeeze %dma_start3A_55 : memref<1x32x79x128xi32, #tpu.memory_space<hbm>> -> memref<32x79x128xi32, #tpu.memory_space<hbm>>
      %dma_start3A_57 = arith.constant 0 : i32
      %dma_start3A_58 = arith.constant 0 : i32
      %dma_start3A_59 = tpu.memref_slice %dma_start3A_56[%add3A, %dma_start3A_57, %dma_start3A_58] : memref<32x79x128xi32, #tpu.memory_space<hbm>> -> memref<1x79x128xi32, #tpu.memory_space<hbm>>
      %dma_start3A_60 = tpu.memref_squeeze %dma_start3A_59 : memref<1x79x128xi32, #tpu.memory_space<hbm>> -> memref<79x128xi32, #tpu.memory_space<hbm>>
      tpu.enqueue_dma source(%dma_start3A_60 : memref<79x128xi32, #tpu.memory_space<hbm>>) target(%arg5 : memref<79x128xi32, #tpu.memory_space<vmem>>) target_semaphore(%run_scoped3A_43 : memref<!tpu.dma_semaphore, #tpu.memory_space<semaphore_mem>>)
      %dma_wait3A = arith.constant 0 : i32
      %dma_wait3A_61 = arith.constant 0 : i32
      %dma_wait3A_62 = arith.constant 0 : i32
      %dma_wait3A_63 = tpu.memref_slice %arg3[%run_scoped3A, %dma_wait3A, %dma_wait3A_61, %dma_wait3A_62] : memref<2x32x79x128xi32, #tpu.memory_space<hbm>> -> memref<1x32x79x128xi32, #tpu.memory_space<hbm>>
      %dma_wait3A_64 = tpu.memref_squeeze %dma_wait3A_63 : memref<1x32x79x128xi32, #tpu.memory_space<hbm>> -> memref<32x79x128xi32, #tpu.memory_space<hbm>>
      %dma_wait3A_65 = arith.constant 0 : i32
      %dma_wait3A_66 = arith.constant 0 : i32
      %dma_wait3A_67 = tpu.memref_slice %dma_wait3A_64[%add3A, %dma_wait3A_65, %dma_wait3A_66] : memref<32x79x128xi32, #tpu.memory_space<hbm>> -> memref<1x79x128xi32, #tpu.memory_space<hbm>>
      %dma_wait3A_68 = tpu.memref_squeeze %dma_wait3A_67 : memref<1x79x128xi32, #tpu.memory_space<hbm>> -> memref<79x128xi32, #tpu.memory_space<hbm>>
      %dma_wait3A_69 = arith.constant 0 : i32
      %dma_wait3A_70 = arith.constant 0 : i32
      %dma_wait3A_71 = arith.constant 0 : i32
      %dma_wait3A_72 = tpu.memref_slice %arg3[%run_scoped3A, %dma_wait3A_69, %dma_wait3A_70, %dma_wait3A_71] : memref<2x32x79x128xi32, #tpu.memory_space<hbm>> -> memref<1x32x79x128xi32, #tpu.memory_space<hbm>>
      %dma_wait3A_73 = tpu.memref_squeeze %dma_wait3A_72 : memref<1x32x79x128xi32, #tpu.memory_space<hbm>> -> memref<32x79x128xi32, #tpu.memory_space<hbm>>
      %dma_wait3A_74 = arith.constant 0 : i32
      %dma_wait3A_75 = arith.constant 0 : i32
      %dma_wait3A_76 = tpu.memref_slice %dma_wait3A_73[%add3A, %dma_wait3A_74, %dma_wait3A_75] : memref<32x79x128xi32, #tpu.memory_space<hbm>> -> memref<1x79x128xi32, #tpu.memory_space<hbm>>
      %dma_wait3A_77 = tpu.memref_squeeze %dma_wait3A_76 : memref<1x79x128xi32, #tpu.memory_space<hbm>> -> memref<79x128xi32, #tpu.memory_space<hbm>>
      tpu.wait_dma2 semaphore(%run_scoped3A_43 : memref<!tpu.dma_semaphore, #tpu.memory_space<semaphore_mem>>) src(%dma_wait3A_77 : memref<79x128xi32, #tpu.memory_space<hbm>>) dst(%arg5 : memref<79x128xi32, #tpu.memory_space<vmem>>)
      tpu.yield
    }) : () -> ()
    %run_scoped3A_1 = arith.constant 1 : i32
    "tpu.region"() ({
      %run_scoped3A_43 = tpu.sem_alloc : memref<!tpu.dma_semaphore, #tpu.memory_space<semaphore_mem>>
      %dma_start3A = arith.constant 0 : i32
      %dma_start3A_44 = arith.constant 0 : i32
      %dma_start3A_45 = arith.constant 0 : i32
      %dma_start3A_46 = tpu.memref_slice %arg3[%run_scoped3A_1, %dma_start3A, %dma_start3A_44, %dma_start3A_45] : memref<2x32x79x128xi32, #tpu.memory_space<hbm>> -> memref<1x32x79x128xi32, #tpu.memory_space<hbm>>
      %dma_start3A_47 = tpu.memref_squeeze %dma_start3A_46 : memref<1x32x79x128xi32, #tpu.memory_space<hbm>> -> memref<32x79x128xi32, #tpu.memory_space<hbm>>
      %dma_start3A_48 = arith.constant 0 : i32
      %dma_start3A_49 = arith.constant 0 : i32
      %dma_start3A_50 = tpu.memref_slice %dma_start3A_47[%add3A, %dma_start3A_48, %dma_start3A_49] : memref<32x79x128xi32, #tpu.memory_space<hbm>> -> memref<1x79x128xi32, #tpu.memory_space<hbm>>
      %dma_start3A_51 = tpu.memref_squeeze %dma_start3A_50 : memref<1x79x128xi32, #tpu.memory_space<hbm>> -> memref<79x128xi32, #tpu.memory_space<hbm>>
      %dma_start3A_52 = arith.constant 0 : i32
      %dma_start3A_53 = arith.constant 0 : i32
      %dma_start3A_54 = arith.constant 0 : i32
      %dma_start3A_55 = tpu.memref_slice %arg3[%run_scoped3A_1, %dma_start3A_52, %dma_start3A_53, %dma_start3A_54] : memref<2x32x79x128xi32, #tpu.memory_space<hbm>> -> memref<1x32x79x128xi32, #tpu.memory_space<hbm>>
      %dma_start3A_56 = tpu.memref_squeeze %dma_start3A_55 : memref<1x32x79x128xi32, #tpu.memory_space<hbm>> -> memref<32x79x128xi32, #tpu.memory_space<hbm>>
      %dma_start3A_57 = arith.constant 0 : i32
      %dma_start3A_58 = arith.constant 0 : i32
      %dma_start3A_59 = tpu.memref_slice %dma_start3A_56[%add3A, %dma_start3A_57, %dma_start3A_58] : memref<32x79x128xi32, #tpu.memory_space<hbm>> -> memref<1x79x128xi32, #tpu.memory_space<hbm>>
      %dma_start3A_60 = tpu.memref_squeeze %dma_start3A_59 : memref<1x79x128xi32, #tpu.memory_space<hbm>> -> memref<79x128xi32, #tpu.memory_space<hbm>>
      tpu.enqueue_dma source(%dma_start3A_60 : memref<79x128xi32, #tpu.memory_space<hbm>>) target(%arg6 : memref<79x128xi32, #tpu.memory_space<vmem>>) target_semaphore(%run_scoped3A_43 : memref<!tpu.dma_semaphore, #tpu.memory_space<semaphore_mem>>)
      %dma_wait3A = arith.constant 0 : i32
      %dma_wait3A_61 = arith.constant 0 : i32
      %dma_wait3A_62 = arith.constant 0 : i32
      %dma_wait3A_63 = tpu.memref_slice %arg3[%run_scoped3A_1, %dma_wait3A, %dma_wait3A_61, %dma_wait3A_62] : memref<2x32x79x128xi32, #tpu.memory_space<hbm>> -> memref<1x32x79x128xi32, #tpu.memory_space<hbm>>
      %dma_wait3A_64 = tpu.memref_squeeze %dma_wait3A_63 : memref<1x32x79x128xi32, #tpu.memory_space<hbm>> -> memref<32x79x128xi32, #tpu.memory_space<hbm>>
      %dma_wait3A_65 = arith.constant 0 : i32
      %dma_wait3A_66 = arith.constant 0 : i32
      %dma_wait3A_67 = tpu.memref_slice %dma_wait3A_64[%add3A, %dma_wait3A_65, %dma_wait3A_66] : memref<32x79x128xi32, #tpu.memory_space<hbm>> -> memref<1x79x128xi32, #tpu.memory_space<hbm>>
      %dma_wait3A_68 = tpu.memref_squeeze %dma_wait3A_67 : memref<1x79x128xi32, #tpu.memory_space<hbm>> -> memref<79x128xi32, #tpu.memory_space<hbm>>
      %dma_wait3A_69 = arith.constant 0 : i32
      %dma_wait3A_70 = arith.constant 0 : i32
      %dma_wait3A_71 = arith.constant 0 : i32
      %dma_wait3A_72 = tpu.memref_slice %arg3[%run_scoped3A_1, %dma_wait3A_69, %dma_wait3A_70, %dma_wait3A_71] : memref<2x32x79x128xi32, #tpu.memory_space<hbm>> -> memref<1x32x79x128xi32, #tpu.memory_space<hbm>>
      %dma_wait3A_73 = tpu.memref_squeeze %dma_wait3A_72 : memref<1x32x79x128xi32, #tpu.memory_space<hbm>> -> memref<32x79x128xi32, #tpu.memory_space<hbm>>
      %dma_wait3A_74 = arith.constant 0 : i32
      %dma_wait3A_75 = arith.constant 0 : i32
      %dma_wait3A_76 = tpu.memref_slice %dma_wait3A_73[%add3A, %dma_wait3A_74, %dma_wait3A_75] : memref<32x79x128xi32, #tpu.memory_space<hbm>> -> memref<1x79x128xi32, #tpu.memory_space<hbm>>
      %dma_wait3A_77 = tpu.memref_squeeze %dma_wait3A_76 : memref<1x79x128xi32, #tpu.memory_space<hbm>> -> memref<79x128xi32, #tpu.memory_space<hbm>>
      tpu.wait_dma2 semaphore(%run_scoped3A_43 : memref<!tpu.dma_semaphore, #tpu.memory_space<semaphore_mem>>) src(%dma_wait3A_77 : memref<79x128xi32, #tpu.memory_space<hbm>>) dst(%arg6 : memref<79x128xi32, #tpu.memory_space<vmem>>)
      tpu.yield
    }) : () -> ()
    %mul3A_2 = arith.constant 626 : i32
    %mul3A_3 = arith.muli %arg1, %mul3A_2 : i32
    %mul3A_4 = arith.constant 626 : i32
    %mul3A_5 = arith.muli %arg1, %mul3A_4 : i32
    "tpu.region"() ({
      %run_scoped3A_43 = tpu.sem_alloc : memref<!tpu.dma_semaphore, #tpu.memory_space<semaphore_mem>>
      %dma_start3A = arith.constant 0 : i32
      %dma_start3A_44 = tpu.memref_slice %arg8[%mul3A_5, %dma_start3A] : memref<10016x16xf32, #tpu.memory_space<vmem_shared>> -> memref<626x16xf32, #tpu.memory_space<vmem_shared>>
      %dma_start3A_45 = arith.constant 0 : i32
      %dma_start3A_46 = tpu.memref_slice %arg2[%mul3A_3, %dma_start3A_45] : memref<10016x16xf32, #tpu.memory_space<hbm>> -> memref<626x16xf32, #tpu.memory_space<hbm>>
      tpu.enqueue_dma source(%dma_start3A_46 : memref<626x16xf32, #tpu.memory_space<hbm>>) target(%dma_start3A_44 : memref<626x16xf32, #tpu.memory_space<vmem_shared>>) target_semaphore(%run_scoped3A_43 : memref<!tpu.dma_semaphore, #tpu.memory_space<semaphore_mem>>)
      %dma_wait3A = arith.constant 0 : i32
      %dma_wait3A_47 = tpu.memref_slice %arg8[%mul3A_5, %dma_wait3A] : memref<10016x16xf32, #tpu.memory_space<vmem_shared>> -> memref<626x16xf32, #tpu.memory_space<vmem_shared>>
      %dma_wait3A_48 = arith.constant 0 : i32
      %dma_wait3A_49 = tpu.memref_slice %arg2[%mul3A_3, %dma_wait3A_48] : memref<10016x16xf32, #tpu.memory_space<hbm>> -> memref<626x16xf32, #tpu.memory_space<hbm>>
      tpu.wait_dma2 semaphore(%run_scoped3A_43 : memref<!tpu.dma_semaphore, #tpu.memory_space<semaphore_mem>>) src(%dma_wait3A_49 : memref<626x16xf32, #tpu.memory_space<hbm>>) dst(%dma_wait3A_47 : memref<626x16xf32, #tpu.memory_space<vmem_shared>>)
      tpu.yield
    }) : () -> ()
    %broadcast_in_dim3A = arith.constant 0.000000e+00 : f32
    %broadcast_in_dim3A_6 = vector.broadcast %broadcast_in_dim3A : f32 to vector<16xf32>
    %scan3A = arith.constant 0 : i32
    %scan3A_7 = arith.constant 0 : i32
    %scan3A_8 = arith.constant 128 : i32
    %scan3A_9 = arith.addi %scan3A_7, %scan3A_8 : i32
    %scan3A_10 = arith.constant 1 : i32
    scf.for %scan3A_43 = %scan3A_7 to %scan3A_9 step %scan3A_10  : i32 {
      %jit3A = arith.constant 1 : i32
      %div3A = arith.divsi %scan3A_43, %jit3A : i32
      %sign3A = arith.constant 0 : i32
      %sign3A_44 = arith.cmpi sgt, %scan3A_43, %sign3A : i32
      %sign3A_45 = arith.extui %sign3A_44 : i1 to i32
      %sign3A_46 = arith.constant 0 : i32
      %sign3A_47 = arith.cmpi slt, %scan3A_43, %sign3A_46 : i32
      %sign3A_48 = arith.extui %sign3A_47 : i1 to i32
      %sign3A_49 = arith.subi %sign3A_45, %sign3A_48 : i32
      %sign3A_50 = arith.constant 0 : i32
      %sign3A_51 = arith.cmpi sgt, %jit3A, %sign3A_50 : i32
      %sign3A_52 = arith.extui %sign3A_51 : i1 to i32
      %sign3A_53 = arith.constant 0 : i32
      %sign3A_54 = arith.cmpi slt, %jit3A, %sign3A_53 : i32
      %sign3A_55 = arith.extui %sign3A_54 : i1 to i32
      %sign3A_56 = arith.subi %sign3A_52, %sign3A_55 : i32
      %ne3A = arith.cmpi ne, %sign3A_49, %sign3A_56 : i32
      %rem3A = arith.remsi %scan3A_43, %jit3A : i32
      %ne3A_57 = arith.constant 0 : i32
      %ne3A_58 = arith.cmpi ne, %rem3A, %ne3A_57 : i32
      %and3A = arith.andi %ne3A, %ne3A_58 : i1
      %sub3A = arith.constant 1 : i32
      %sub3A_59 = arith.subi %div3A, %sub3A : i32
      %select_n3A = arith.select %and3A, %sub3A_59, %div3A : i32
      %jit3A_60 = arith.constant 1 : i32
      %eq3A = arith.constant 0 : i32
      %eq3A_61 = arith.cmpi eq, %jit3A_60, %eq3A : i32
      %jit3A_62 = arith.constant 1 : i32
      %select_n3A_63 = arith.select %eq3A_61, %jit3A_62, %jit3A_60 : i32
      %rem3A_64 = arith.remsi %scan3A_43, %select_n3A_63 : i32
      %ne3A_65 = arith.constant 0 : i32
      %ne3A_66 = arith.cmpi ne, %rem3A_64, %ne3A_65 : i32
      %lt3A = arith.constant 0 : i32
      %lt3A_67 = arith.cmpi slt, %rem3A_64, %lt3A : i32
      %lt3A_68 = arith.constant 0 : i32
      %lt3A_69 = arith.cmpi slt, %select_n3A_63, %lt3A_68 : i32
      %ne3A_70 = arith.xori %lt3A_67, %lt3A_69 : i1
      %and3A_71 = arith.andi %ne3A_70, %ne3A_66 : i1
      %add3A_72 = arith.addi %rem3A_64, %select_n3A_63 : i32
      %select_n3A_73 = arith.select %and3A_71, %add3A_72, %rem3A_64 : i32
      %mul3A_74 = arith.constant 16 : i32
      %mul3A_75 = arith.muli %select_n3A_73, %mul3A_74 : i32
      %swap3A = arith.index_cast %select_n3A : i32 to index
      %swap3A_76 = arith.index_cast %mul3A_75 : i32 to index
      %swap3A_77 = tpu.vector_load %arg7[%swap3A, %swap3A_76] {strides = array<i32>} : memref<128x16xf32, #tpu.memory_space<vmem>>, vector<1x16xf32>,
      %swap3A_78 = vector.shape_cast %swap3A_77 : vector<1x16xf32> to vector<16xf32>
      %swap3A_79 = vector.shape_cast %broadcast_in_dim3A_6 : vector<16xf32> to vector<1x16xf32>
      tpu.vector_store %arg7[%swap3A, %swap3A_76], %swap3A_79 {strides = array<i32>} : memref<128x16xf32, #tpu.memory_space<vmem>>, vector<1x16xf32>,
    }
    %scan3A_11 = arith.constant 128 : i32
    %mul3A_12 = arith.constant 640 : i32
    %mul3A_13 = arith.muli %arg1, %mul3A_12 : i32
    %add3A_14 = arith.constant 0 : i32
    %add3A_15 = arith.addi %mul3A_13, %add3A_14 : i32
    "tpu.region"() ({
      %run_scoped3A_43 = tpu.sem_alloc : memref<!tpu.dma_semaphore, #tpu.memory_space<semaphore_mem>>
      %dma_start3A = arith.constant 0 : i32
      %dma_start3A_44 = arith.constant 0 : i32
      %dma_start3A_45 = tpu.memref_slice %arg7[%dma_start3A, %dma_start3A_44] : memref<128x16xf32, #tpu.memory_space<vmem>> -> memref<128x16xf32, #tpu.memory_space<vmem>>
      %dma_start3A_46 = arith.constant 0 : i32
      %dma_start3A_47 = tpu.memref_slice %arg9[%add3A_15, %dma_start3A_46] : memref<10240x16xf32, #tpu.memory_space<vmem_shared>> -> memref<128x16xf32, #tpu.memory_space<vmem_shared>>
      %dma_start3A_48 = arith.constant 0 : i32
      %dma_start3A_49 = tpu.memref_slice %arg9[%add3A_15, %dma_start3A_48] : memref<10240x16xf32, #tpu.memory_space<vmem_shared>> -> memref<128x16xf32, #tpu.memory_space<vmem_shared>>
      %dma_start3A_50 = arith.constant 0 : i32
      %dma_start3A_51 = arith.constant 0 : i32
      %dma_start3A_52 = tpu.memref_slice %arg7[%dma_start3A_50, %dma_start3A_51] : memref<128x16xf32, #tpu.memory_space<vmem>> -> memref<128x16xf32, #tpu.memory_space<vmem>>
      tpu.enqueue_dma source(%dma_start3A_52 : memref<128x16xf32, #tpu.memory_space<vmem>>) target(%dma_start3A_49 : memref<128x16xf32, #tpu.memory_space<vmem_shared>>) target_semaphore(%run_scoped3A_43 : memref<!tpu.dma_semaphore, #tpu.memory_space<semaphore_mem>>)
      %dma_wait3A = arith.constant 0 : i32
      %dma_wait3A_53 = arith.constant 0 : i32
      %dma_wait3A_54 = tpu.memref_slice %arg7[%dma_wait3A, %dma_wait3A_53] : memref<128x16xf32, #tpu.memory_space<vmem>> -> memref<128x16xf32, #tpu.memory_space<vmem>>
      %dma_wait3A_55 = arith.constant 0 : i32
      %dma_wait3A_56 = tpu.memref_slice %arg9[%add3A_15, %dma_wait3A_55] : memref<10240x16xf32, #tpu.memory_space<vmem_shared>> -> memref<128x16xf32, #tpu.memory_space<vmem_shared>>
      %dma_wait3A_57 = arith.constant 0 : i32
      %dma_wait3A_58 = tpu.memref_slice %arg9[%add3A_15, %dma_wait3A_57] : memref<10240x16xf32, #tpu.memory_space<vmem_shared>> -> memref<128x16xf32, #tpu.memory_space<vmem_shared>>
      %dma_wait3A_59 = arith.constant 0 : i32
      %dma_wait3A_60 = arith.constant 0 : i32
      %dma_wait3A_61 = tpu.memref_slice %arg7[%dma_wait3A_59, %dma_wait3A_60] : memref<128x16xf32, #tpu.memory_space<vmem>> -> memref<128x16xf32, #tpu.memory_space<vmem>>
      tpu.wait_dma2 semaphore(%run_scoped3A_43 : memref<!tpu.dma_semaphore, #tpu.memory_space<semaphore_mem>>) src(%dma_wait3A_61 : memref<128x16xf32, #tpu.memory_space<vmem>>) dst(%dma_wait3A_58 : memref<128x16xf32, #tpu.memory_space<vmem_shared>>)
      tpu.yield
    }) : () -> ()
    %mul3A_16 = arith.constant 640 : i32
    %mul3A_17 = arith.muli %arg1, %mul3A_16 : i32
    %add3A_18 = arith.constant 128 : i32
    %add3A_19 = arith.addi %mul3A_17, %add3A_18 : i32
    "tpu.region"() ({
      %run_scoped3A_43 = tpu.sem_alloc : memref<!tpu.dma_semaphore, #tpu.memory_space<semaphore_mem>>
      %dma_start3A = arith.constant 0 : i32
      %dma_start3A_44 = arith.constant 0 : i32
      %dma_start3A_45 = tpu.memref_slice %arg7[%dma_start3A, %dma_start3A_44] : memref<128x16xf32, #tpu.memory_space<vmem>> -> memref<128x16xf32, #tpu.memory_space<vmem>>
      %dma_start3A_46 = arith.constant 0 : i32
      %dma_start3A_47 = tpu.memref_slice %arg9[%add3A_19, %dma_start3A_46] : memref<10240x16xf32, #tpu.memory_space<vmem_shared>> -> memref<128x16xf32, #tpu.memory_space<vmem_shared>>
      %dma_start3A_48 = arith.constant 0 : i32
      %dma_start3A_49 = tpu.memref_slice %arg9[%add3A_19, %dma_start3A_48] : memref<10240x16xf32, #tpu.memory_space<vmem_shared>> -> memref<128x16xf32, #tpu.memory_space<vmem_shared>>
      %dma_start3A_50 = arith.constant 0 : i32
      %dma_start3A_51 = arith.constant 0 : i32
      %dma_start3A_52 = tpu.memref_slice %arg7[%dma_start3A_50, %dma_start3A_51] : memref<128x16xf32, #tpu.memory_space<vmem>> -> memref<128x16xf32, #tpu.memory_space<vmem>>
      tpu.enqueue_dma source(%dma_start3A_52 : memref<128x16xf32, #tpu.memory_space<vmem>>) target(%dma_start3A_49 : memref<128x16xf32, #tpu.memory_space<vmem_shared>>) target_semaphore(%run_scoped3A_43 : memref<!tpu.dma_semaphore, #tpu.memory_space<semaphore_mem>>)
      %dma_wait3A = arith.constant 0 : i32
      %dma_wait3A_53 = arith.constant 0 : i32
      %dma_wait3A_54 = tpu.memref_slice %arg7[%dma_wait3A, %dma_wait3A_53] : memref<128x16xf32, #tpu.memory_space<vmem>> -> memref<128x16xf32, #tpu.memory_space<vmem>>
      %dma_wait3A_55 = arith.constant 0 : i32
      %dma_wait3A_56 = tpu.memref_slice %arg9[%add3A_19, %dma_wait3A_55] : memref<10240x16xf32, #tpu.memory_space<vmem_shared>> -> memref<128x16xf32, #tpu.memory_space<vmem_shared>>
      %dma_wait3A_57 = arith.constant 0 : i32
      %dma_wait3A_58 = tpu.memref_slice %arg9[%add3A_19, %dma_wait3A_57] : memref<10240x16xf32, #tpu.memory_space<vmem_shared>> -> memref<128x16xf32, #tpu.memory_space<vmem_shared>>
      %dma_wait3A_59 = arith.constant 0 : i32
      %dma_wait3A_60 = arith.constant 0 : i32
      %dma_wait3A_61 = tpu.memref_slice %arg7[%dma_wait3A_59, %dma_wait3A_60] : memref<128x16xf32, #tpu.memory_space<vmem>> -> memref<128x16xf32, #tpu.memory_space<vmem>>
      tpu.wait_dma2 semaphore(%run_scoped3A_43 : memref<!tpu.dma_semaphore, #tpu.memory_space<semaphore_mem>>) src(%dma_wait3A_61 : memref<128x16xf32, #tpu.memory_space<vmem>>) dst(%dma_wait3A_58 : memref<128x16xf32, #tpu.memory_space<vmem_shared>>)
      tpu.yield
    }) : () -> ()
    %mul3A_20 = arith.constant 640 : i32
    %mul3A_21 = arith.muli %arg1, %mul3A_20 : i32
    %add3A_22 = arith.constant 256 : i32
    %add3A_23 = arith.addi %mul3A_21, %add3A_22 : i32
    "tpu.region"() ({
      %run_scoped3A_43 = tpu.sem_alloc : memref<!tpu.dma_semaphore, #tpu.memory_space<semaphore_mem>>
      %dma_start3A = arith.constant 0 : i32
      %dma_start3A_44 = arith.constant 0 : i32
      %dma_start3A_45 = tpu.memref_slice %arg7[%dma_start3A, %dma_start3A_44] : memref<128x16xf32, #tpu.memory_space<vmem>> -> memref<128x16xf32, #tpu.memory_space<vmem>>
      %dma_start3A_46 = arith.constant 0 : i32
      %dma_start3A_47 = tpu.memref_slice %arg9[%add3A_23, %dma_start3A_46] : memref<10240x16xf32, #tpu.memory_space<vmem_shared>> -> memref<128x16xf32, #tpu.memory_space<vmem_shared>>
      %dma_start3A_48 = arith.constant 0 : i32
      %dma_start3A_49 = tpu.memref_slice %arg9[%add3A_23, %dma_start3A_48] : memref<10240x16xf32, #tpu.memory_space<vmem_shared>> -> memref<128x16xf32, #tpu.memory_space<vmem_shared>>
      %dma_start3A_50 = arith.constant 0 : i32
      %dma_start3A_51 = arith.constant 0 : i32
      %dma_start3A_52 = tpu.memref_slice %arg7[%dma_start3A_50, %dma_start3A_51] : memref<128x16xf32, #tpu.memory_space<vmem>> -> memref<128x16xf32, #tpu.memory_space<vmem>>
      tpu.enqueue_dma source(%dma_start3A_52 : memref<128x16xf32, #tpu.memory_space<vmem>>) target(%dma_start3A_49 : memref<128x16xf32, #tpu.memory_space<vmem_shared>>) target_semaphore(%run_scoped3A_43 : memref<!tpu.dma_semaphore, #tpu.memory_space<semaphore_mem>>)
      %dma_wait3A = arith.constant 0 : i32
      %dma_wait3A_53 = arith.constant 0 : i32
      %dma_wait3A_54 = tpu.memref_slice %arg7[%dma_wait3A, %dma_wait3A_53] : memref<128x16xf32, #tpu.memory_space<vmem>> -> memref<128x16xf32, #tpu.memory_space<vmem>>
      %dma_wait3A_55 = arith.constant 0 : i32
      %dma_wait3A_56 = tpu.memref_slice %arg9[%add3A_23, %dma_wait3A_55] : memref<10240x16xf32, #tpu.memory_space<vmem_shared>> -> memref<128x16xf32, #tpu.memory_space<vmem_shared>>
      %dma_wait3A_57 = arith.constant 0 : i32
      %dma_wait3A_58 = tpu.memref_slice %arg9[%add3A_23, %dma_wait3A_57] : memref<10240x16xf32, #tpu.memory_space<vmem_shared>> -> memref<128x16xf32, #tpu.memory_space<vmem_shared>>
      %dma_wait3A_59 = arith.constant 0 : i32
      %dma_wait3A_60 = arith.constant 0 : i32
      %dma_wait3A_61 = tpu.memref_slice %arg7[%dma_wait3A_59, %dma_wait3A_60] : memref<128x16xf32, #tpu.memory_space<vmem>> -> memref<128x16xf32, #tpu.memory_space<vmem>>
      tpu.wait_dma2 semaphore(%run_scoped3A_43 : memref<!tpu.dma_semaphore, #tpu.memory_space<semaphore_mem>>) src(%dma_wait3A_61 : memref<128x16xf32, #tpu.memory_space<vmem>>) dst(%dma_wait3A_58 : memref<128x16xf32, #tpu.memory_space<vmem_shared>>)
      tpu.yield
    }) : () -> ()
    %mul3A_24 = arith.constant 640 : i32
    %mul3A_25 = arith.muli %arg1, %mul3A_24 : i32
    %add3A_26 = arith.constant 384 : i32
    %add3A_27 = arith.addi %mul3A_25, %add3A_26 : i32
    "tpu.region"() ({
      %run_scoped3A_43 = tpu.sem_alloc : memref<!tpu.dma_semaphore, #tpu.memory_space<semaphore_mem>>
      %dma_start3A = arith.constant 0 : i32
      %dma_start3A_44 = arith.constant 0 : i32
      %dma_start3A_45 = tpu.memref_slice %arg7[%dma_start3A, %dma_start3A_44] : memref<128x16xf32, #tpu.memory_space<vmem>> -> memref<128x16xf32, #tpu.memory_space<vmem>>
      %dma_start3A_46 = arith.constant 0 : i32
      %dma_start3A_47 = tpu.memref_slice %arg9[%add3A_27, %dma_start3A_46] : memref<10240x16xf32, #tpu.memory_space<vmem_shared>> -> memref<128x16xf32, #tpu.memory_space<vmem_shared>>
      %dma_start3A_48 = arith.constant 0 : i32
      %dma_start3A_49 = tpu.memref_slice %arg9[%add3A_27, %dma_start3A_48] : memref<10240x16xf32, #tpu.memory_space<vmem_shared>> -> memref<128x16xf32, #tpu.memory_space<vmem_shared>>
      %dma_start3A_50 = arith.constant 0 : i32
      %dma_start3A_51 = arith.constant 0 : i32
      %dma_start3A_52 = tpu.memref_slice %arg7[%dma_start3A_50, %dma_start3A_51] : memref<128x16xf32, #tpu.memory_space<vmem>> -> memref<128x16xf32, #tpu.memory_space<vmem>>
      tpu.enqueue_dma source(%dma_start3A_52 : memref<128x16xf32, #tpu.memory_space<vmem>>) target(%dma_start3A_49 : memref<128x16xf32, #tpu.memory_space<vmem_shared>>) target_semaphore(%run_scoped3A_43 : memref<!tpu.dma_semaphore, #tpu.memory_space<semaphore_mem>>)
      %dma_wait3A = arith.constant 0 : i32
      %dma_wait3A_53 = arith.constant 0 : i32
      %dma_wait3A_54 = tpu.memref_slice %arg7[%dma_wait3A, %dma_wait3A_53] : memref<128x16xf32, #tpu.memory_space<vmem>> -> memref<128x16xf32, #tpu.memory_space<vmem>>
      %dma_wait3A_55 = arith.constant 0 : i32
      %dma_wait3A_56 = tpu.memref_slice %arg9[%add3A_27, %dma_wait3A_55] : memref<10240x16xf32, #tpu.memory_space<vmem_shared>> -> memref<128x16xf32, #tpu.memory_space<vmem_shared>>
      %dma_wait3A_57 = arith.constant 0 : i32
      %dma_wait3A_58 = tpu.memref_slice %arg9[%add3A_27, %dma_wait3A_57] : memref<10240x16xf32, #tpu.memory_space<vmem_shared>> -> memref<128x16xf32, #tpu.memory_space<vmem_shared>>
      %dma_wait3A_59 = arith.constant 0 : i32
      %dma_wait3A_60 = arith.constant 0 : i32
      %dma_wait3A_61 = tpu.memref_slice %arg7[%dma_wait3A_59, %dma_wait3A_60] : memref<128x16xf32, #tpu.memory_space<vmem>> -> memref<128x16xf32, #tpu.memory_space<vmem>>
      tpu.wait_dma2 semaphore(%run_scoped3A_43 : memref<!tpu.dma_semaphore, #tpu.memory_space<semaphore_mem>>) src(%dma_wait3A_61 : memref<128x16xf32, #tpu.memory_space<vmem>>) dst(%dma_wait3A_58 : memref<128x16xf32, #tpu.memory_space<vmem_shared>>)
      tpu.yield
    }) : () -> ()
    %mul3A_28 = arith.constant 640 : i32
    %mul3A_29 = arith.muli %arg1, %mul3A_28 : i32
    %add3A_30 = arith.constant 512 : i32
    %add3A_31 = arith.addi %mul3A_29, %add3A_30 : i32
    "tpu.region"() ({
      %run_scoped3A_43 = tpu.sem_alloc : memref<!tpu.dma_semaphore, #tpu.memory_space<semaphore_mem>>
      %dma_start3A = arith.constant 0 : i32
      %dma_start3A_44 = arith.constant 0 : i32
      %dma_start3A_45 = tpu.memref_slice %arg7[%dma_start3A, %dma_start3A_44] : memref<128x16xf32, #tpu.memory_space<vmem>> -> memref<128x16xf32, #tpu.memory_space<vmem>>
      %dma_start3A_46 = arith.constant 0 : i32
      %dma_start3A_47 = tpu.memref_slice %arg9[%add3A_31, %dma_start3A_46] : memref<10240x16xf32, #tpu.memory_space<vmem_shared>> -> memref<128x16xf32, #tpu.memory_space<vmem_shared>>
      %dma_start3A_48 = arith.constant 0 : i32
      %dma_start3A_49 = tpu.memref_slice %arg9[%add3A_31, %dma_start3A_48] : memref<10240x16xf32, #tpu.memory_space<vmem_shared>> -> memref<128x16xf32, #tpu.memory_space<vmem_shared>>
      %dma_start3A_50 = arith.constant 0 : i32
      %dma_start3A_51 = arith.constant 0 : i32
      %dma_start3A_52 = tpu.memref_slice %arg7[%dma_start3A_50, %dma_start3A_51] : memref<128x16xf32, #tpu.memory_space<vmem>> -> memref<128x16xf32, #tpu.memory_space<vmem>>
      tpu.enqueue_dma source(%dma_start3A_52 : memref<128x16xf32, #tpu.memory_space<vmem>>) target(%dma_start3A_49 : memref<128x16xf32, #tpu.memory_space<vmem_shared>>) target_semaphore(%run_scoped3A_43 : memref<!tpu.dma_semaphore, #tpu.memory_space<semaphore_mem>>)
      %dma_wait3A = arith.constant 0 : i32
      %dma_wait3A_53 = arith.constant 0 : i32
      %dma_wait3A_54 = tpu.memref_slice %arg7[%dma_wait3A, %dma_wait3A_53] : memref<128x16xf32, #tpu.memory_space<vmem>> -> memref<128x16xf32, #tpu.memory_space<vmem>>
      %dma_wait3A_55 = arith.constant 0 : i32
      %dma_wait3A_56 = tpu.memref_slice %arg9[%add3A_31, %dma_wait3A_55] : memref<10240x16xf32, #tpu.memory_space<vmem_shared>> -> memref<128x16xf32, #tpu.memory_space<vmem_shared>>
      %dma_wait3A_57 = arith.constant 0 : i32
      %dma_wait3A_58 = tpu.memref_slice %arg9[%add3A_31, %dma_wait3A_57] : memref<10240x16xf32, #tpu.memory_space<vmem_shared>> -> memref<128x16xf32, #tpu.memory_space<vmem_shared>>
      %dma_wait3A_59 = arith.constant 0 : i32
      %dma_wait3A_60 = arith.constant 0 : i32
      %dma_wait3A_61 = tpu.memref_slice %arg7[%dma_wait3A_59, %dma_wait3A_60] : memref<128x16xf32, #tpu.memory_space<vmem>> -> memref<128x16xf32, #tpu.memory_space<vmem>>
      tpu.wait_dma2 semaphore(%run_scoped3A_43 : memref<!tpu.dma_semaphore, #tpu.memory_space<semaphore_mem>>) src(%dma_wait3A_61 : memref<128x16xf32, #tpu.memory_space<vmem>>) dst(%dma_wait3A_58 : memref<128x16xf32, #tpu.memory_space<vmem_shared>>)
      tpu.yield
    }) : () -> ()
    %barrier3A = arith.constant 0 : index
    tpu.barrier barrier_id(%barrier3A)
    %scan3A_32 = arith.constant 0 : i32
    %scan3A_33 = arith.constant 0 : i32
    %scan3A_34 = arith.constant 79 : i32
    %scan3A_35 = arith.addi %scan3A_33, %scan3A_34 : i32
    %scan3A_36 = arith.constant 1 : i32
    scf.for %scan3A_43 = %scan3A_33 to %scan3A_35 step %scan3A_36  : i32 {
      %dma_start3A = arith.constant 0 : i32
      %dma_start3A_44 = tpu.memref_slice %arg5[%scan3A_43, %dma_start3A] : memref<79x128xi32, #tpu.memory_space<vmem>> -> memref<1x128xi32, #tpu.memory_space<vmem>>
      %dma_start3A_45 = tpu.memref_squeeze %dma_start3A_44 : memref<1x128xi32, #tpu.memory_space<vmem>> -> memref<128xi32, #tpu.memory_space<vmem>>
      %dma_start3A_46 = arith.constant 0 : i32
      %dma_start3A_47 = arith.constant 0 : i32
      %dma_start3A_48 = tpu.memref_slice %arg8[%dma_start3A_46, %dma_start3A_47] : memref<10016x16xf32, #tpu.memory_space<vmem_shared>> -> memref<10016x16xf32, #tpu.memory_space<vmem_shared>>
      tpu.enqueue_indirect_dma source(%dma_start3A_48 : memref<10016x16xf32, #tpu.memory_space<vmem_shared>>) target(%arg7 : memref<128x16xf32, #tpu.memory_space<vmem>>) offsets(%dma_start3A_45 : memref<128xi32, #tpu.memory_space<vmem>>) semaphore(%arg10 : memref<!tpu.dma_semaphore, #tpu.memory_space<semaphore_mem>>)
      %dma_wait3A = arith.constant 0 : i32
      %dma_wait3A_49 = tpu.memref_slice %arg5[%scan3A_43, %dma_wait3A] : memref<79x128xi32, #tpu.memory_space<vmem>> -> memref<1x128xi32, #tpu.memory_space<vmem>>
      %dma_wait3A_50 = tpu.memref_squeeze %dma_wait3A_49 : memref<1x128xi32, #tpu.memory_space<vmem>> -> memref<128xi32, #tpu.memory_space<vmem>>
      %dma_wait3A_51 = arith.constant 0 : i32
      %dma_wait3A_52 = arith.constant 0 : i32
      %dma_wait3A_53 = tpu.memref_slice %arg8[%dma_wait3A_51, %dma_wait3A_52] : memref<10016x16xf32, #tpu.memory_space<vmem_shared>> -> memref<10016x16xf32, #tpu.memory_space<vmem_shared>>
      tpu.wait_indirect_dma semaphore(%arg10 : memref<!tpu.dma_semaphore, #tpu.memory_space<semaphore_mem>>) src(%dma_wait3A_53 : memref<10016x16xf32, #tpu.memory_space<vmem_shared>>) dst(%arg7 : memref<128x16xf32, #tpu.memory_space<vmem>>)
      "tpu.region"() ({
        %run_scoped3A_54 = tpu.sem_alloc : memref<!tpu.dma_semaphore, #tpu.memory_space<semaphore_mem>>
        %dma_start3A_55 = arith.constant 0 : i32
        %dma_start3A_56 = tpu.memref_slice %arg6[%scan3A_43, %dma_start3A_55] : memref<79x128xi32, #tpu.memory_space<vmem>> -> memref<1x128xi32, #tpu.memory_space<vmem>>
        %dma_start3A_57 = tpu.memref_squeeze %dma_start3A_56 : memref<1x128xi32, #tpu.memory_space<vmem>> -> memref<128xi32, #tpu.memory_space<vmem>>
        %dma_start3A_58 = arith.constant 0 : i32
        %dma_start3A_59 = arith.constant 0 : i32
        %dma_start3A_60 = tpu.memref_slice %arg9[%dma_start3A_58, %dma_start3A_59] : memref<10240x16xf32, #tpu.memory_space<vmem_shared>> -> memref<10240x16xf32, #tpu.memory_space<vmem_shared>>
        tpu.enqueue_indirect_dma source(%arg7 : memref<128x16xf32, #tpu.memory_space<vmem>>) target(%dma_start3A_60 : memref<10240x16xf32, #tpu.memory_space<vmem_shared>>) offsets(%dma_start3A_57 : memref<128xi32, #tpu.memory_space<vmem>>) semaphore(%run_scoped3A_54 : memref<!tpu.dma_semaphore, #tpu.memory_space<semaphore_mem>>) {add = true}
        %dma_wait3A_61 = arith.constant 0 : i32
        %dma_wait3A_62 = tpu.memref_slice %arg6[%scan3A_43, %dma_wait3A_61] : memref<79x128xi32, #tpu.memory_space<vmem>> -> memref<1x128xi32, #tpu.memory_space<vmem>>
        %dma_wait3A_63 = tpu.memref_squeeze %dma_wait3A_62 : memref<1x128xi32, #tpu.memory_space<vmem>> -> memref<128xi32, #tpu.memory_space<vmem>>
        %dma_wait3A_64 = arith.constant 0 : i32
        %dma_wait3A_65 = arith.constant 0 : i32
        %dma_wait3A_66 = tpu.memref_slice %arg9[%dma_wait3A_64, %dma_wait3A_65] : memref<10240x16xf32, #tpu.memory_space<vmem_shared>> -> memref<10240x16xf32, #tpu.memory_space<vmem_shared>>
        tpu.wait_indirect_dma semaphore(%run_scoped3A_54 : memref<!tpu.dma_semaphore, #tpu.memory_space<semaphore_mem>>) src(%arg7 : memref<128x16xf32, #tpu.memory_space<vmem>>) dst(%dma_wait3A_66 : memref<10240x16xf32, #tpu.memory_space<vmem_shared>>)
        tpu.yield
      }) : () -> ()
    }
    %scan3A_37 = arith.constant 79 : i32
    %barrier3A_38 = arith.constant 0 : index
    tpu.barrier barrier_id(%barrier3A_38)
    %mul3A_39 = arith.constant 640 : i32
    %mul3A_40 = arith.muli %arg1, %mul3A_39 : i32
    %mul3A_41 = arith.constant 640 : i32
    %mul3A_42 = arith.muli %arg1, %mul3A_41 : i32
    "tpu.region"() ({
      %run_scoped3A_43 = tpu.sem_alloc : memref<!tpu.dma_semaphore, #tpu.memory_space<semaphore_mem>>
      %dma_start3A = arith.constant 0 : i32
      %dma_start3A_44 = arith.constant 0 : i32
      %dma_start3A_45 = tpu.memref_slice %arg4[%arg0, %dma_start3A, %dma_start3A_44] : memref<2x10240x16xf32, #tpu.memory_space<hbm>> -> memref<1x10240x16xf32, #tpu.memory_space<hbm>>
      %dma_start3A_46 = tpu.memref_squeeze %dma_start3A_45 : memref<1x10240x16xf32, #tpu.memory_space<hbm>> -> memref<10240x16xf32, #tpu.memory_space<hbm>>
      %dma_start3A_47 = arith.constant 0 : i32
      %dma_start3A_48 = tpu.memref_slice %dma_start3A_46[%mul3A_42, %dma_start3A_47] : memref<10240x16xf32, #tpu.memory_space<hbm>> -> memref<640x16xf32, #tpu.memory_space<hbm>>
      %dma_start3A_49 = arith.constant 0 : i32
      %dma_start3A_50 = tpu.memref_slice %arg9[%mul3A_40, %dma_start3A_49] : memref<10240x16xf32, #tpu.memory_space<vmem_shared>> -> memref<640x16xf32, #tpu.memory_space<vmem_shared>>
      tpu.enqueue_dma source(%dma_start3A_50 : memref<640x16xf32, #tpu.memory_space<vmem_shared>>) target(%dma_start3A_48 : memref<640x16xf32, #tpu.memory_space<hbm>>) target_semaphore(%run_scoped3A_43 : memref<!tpu.dma_semaphore, #tpu.memory_space<semaphore_mem>>)
      %dma_wait3A = arith.constant 0 : i32
      %dma_wait3A_51 = arith.constant 0 : i32
      %dma_wait3A_52 = tpu.memref_slice %arg4[%arg0, %dma_wait3A, %dma_wait3A_51] : memref<2x10240x16xf32, #tpu.memory_space<hbm>> -> memref<1x10240x16xf32, #tpu.memory_space<hbm>>
      %dma_wait3A_53 = tpu.memref_squeeze %dma_wait3A_52 : memref<1x10240x16xf32, #tpu.memory_space<hbm>> -> memref<10240x16xf32, #tpu.memory_space<hbm>>
      %dma_wait3A_54 = arith.constant 0 : i32
      %dma_wait3A_55 = tpu.memref_slice %dma_wait3A_53[%mul3A_42, %dma_wait3A_54] : memref<10240x16xf32, #tpu.memory_space<hbm>> -> memref<640x16xf32, #tpu.memory_space<hbm>>
      %dma_wait3A_56 = arith.constant 0 : i32
      %dma_wait3A_57 = tpu.memref_slice %arg9[%mul3A_40, %dma_wait3A_56] : memref<10240x16xf32, #tpu.memory_space<vmem_shared>> -> memref<640x16xf32, #tpu.memory_space<vmem_shared>>
      tpu.wait_dma2 semaphore(%run_scoped3A_43 : memref<!tpu.dma_semaphore, #tpu.memory_space<semaphore_mem>>) src(%dma_wait3A_57 : memref<640x16xf32, #tpu.memory_space<vmem_shared>>) dst(%dma_wait3A_55 : memref<640x16xf32, #tpu.memory_space<hbm>>)
      tpu.yield
    }) : () -> ()
    return
  }
}

module attributes {stable_mosaic.version = 14 : i64} {
  func.func @_mm2_body(%arg0: memref<10000x128xf32, #tpu.memory_space<vmem>>, %arg1: memref<128x64xf32, #tpu.memory_space<vmem>>, %arg2: memref<128x64xf32, #tpu.memory_space<vmem>>, %arg3: memref<10016x64xf32, #tpu.memory_space<vmem>>, %arg4: memref<10000x64xf32, #tpu.memory_space<vmem>>) attributes {dimension_semantics = [], scalar_prefetch = 0 : i64, scratch_operands = 0 : i64, tpu.core_type = #tpu.core_type<tc>} {
    %get3A = arith.constant 0 : index
    %get3A_0 = arith.constant 0 : index
    %get3A_1 = vector.load %arg0[%get3A, %get3A_0] : memref<10000x128xf32, #tpu.memory_space<vmem>>, vector<10000x128xf32>
    %get3A_2 = arith.constant 0 : index
    %get3A_3 = arith.constant 0 : index
    %get3A_4 = vector.load %arg1[%get3A_2, %get3A_3] : memref<128x64xf32, #tpu.memory_space<vmem>>, vector<128x64xf32>
    %dot_general3A = arith.constant dense<0.000000e+00> : vector<10000x64xf32>
    %dot_general3A_5 = tpu.matmul %get3A_1, %get3A_4, %dot_general3A {dimension_numbers = #tpu.dot_dimension_numbers<[1], [0], [0], [1], [0, 0, 1, 1], [], []>, transpose_lhs_hint = false} : vector<10000x128xf32>, vector<128x64xf32>, vector<10000x64xf32> -> vector<10000x64xf32>
    %swap3A = arith.constant 0 : index
    %swap3A_6 = arith.constant 0 : index
    %swap3A_7 = vector.load %arg3[%swap3A, %swap3A_6] : memref<10016x64xf32, #tpu.memory_space<vmem>>, vector<10000x64xf32>
    tpu.vector_store %arg3[%swap3A, %swap3A_6], %dot_general3A_5 {strides = array<i32>} : memref<10016x64xf32, #tpu.memory_space<vmem>>, vector<10000x64xf32>,
    %broadcast_in_dim3A = arith.constant 0.000000e+00 : f32
    %broadcast_in_dim3A_8 = vector.broadcast %broadcast_in_dim3A : f32 to vector<16x64xf32>
    %swap3A_9 = arith.constant 10000 : index
    %swap3A_10 = arith.constant 0 : index
    %swap3A_11 = vector.load %arg3[%swap3A_9, %swap3A_10] : memref<10016x64xf32, #tpu.memory_space<vmem>>, vector<16x64xf32>
    tpu.vector_store %arg3[%swap3A_9, %swap3A_10], %broadcast_in_dim3A_8 {strides = array<i32>} : memref<10016x64xf32, #tpu.memory_space<vmem>>, vector<16x64xf32>,
    %get3A_12 = arith.constant 0 : index
    %get3A_13 = arith.constant 0 : index
    %get3A_14 = vector.load %arg2[%get3A_12, %get3A_13] : memref<128x64xf32, #tpu.memory_space<vmem>>, vector<128x64xf32>
    %dot_general3A_15 = arith.constant dense<0.000000e+00> : vector<10000x64xf32>
    %dot_general3A_16 = tpu.matmul %get3A_1, %get3A_14, %dot_general3A_15 {dimension_numbers = #tpu.dot_dimension_numbers<[1], [0], [0], [1], [0, 0, 1, 1], [], []>, transpose_lhs_hint = false} : vector<10000x128xf32>, vector<128x64xf32>, vector<10000x64xf32> -> vector<10000x64xf32>
    %swap3A_17 = arith.constant 0 : index
    %swap3A_18 = arith.constant 0 : index
    %swap3A_19 = vector.load %arg4[%swap3A_17, %swap3A_18] : memref<10000x64xf32, #tpu.memory_space<vmem>>, vector<10000x64xf32>
    tpu.vector_store %arg4[%swap3A_17, %swap3A_18], %dot_general3A_16 {strides = array<i32>} : memref<10000x64xf32, #tpu.memory_space<vmem>>, vector<10000x64xf32>,
    return
  }
}

module attributes {stable_mosaic.version = 14 : i64} {
  func.func @_mid_body(%arg0: memref<10000x64xf32, #tpu.memory_space<vmem>>, %arg1: memref<2x10240x64xf32, #tpu.memory_space<vmem>>, %arg2: memref<1x64xf32, #tpu.memory_space<vmem>>, %arg3: memref<64x16xf32, #tpu.memory_space<vmem>>, %arg4: memref<64x16xf32, #tpu.memory_space<vmem>>, %arg5: memref<10016x16xf32, #tpu.memory_space<vmem>>, %arg6: memref<10000x16xf32, #tpu.memory_space<vmem>>) attributes {dimension_semantics = [], scalar_prefetch = 0 : i64, scratch_operands = 0 : i64, tpu.core_type = #tpu.core_type<tc>} {
    %get3A = arith.constant 0 : index
    %get3A_0 = arith.constant 0 : index
    %get3A_1 = vector.load %arg0[%get3A, %get3A_0] : memref<10000x64xf32, #tpu.memory_space<vmem>>, vector<10000x64xf32>
    %get3A_2 = arith.constant 0 : index
    %get3A_3 = arith.constant 0 : index
    %get3A_4 = arith.constant 0 : index
    %get3A_5 = vector.load %arg1[%get3A_2, %get3A_3, %get3A_4] : memref<2x10240x64xf32, #tpu.memory_space<vmem>>, vector<1x10000x64xf32>
    %get3A_6 = vector.shape_cast %get3A_5 : vector<1x10000x64xf32> to vector<10000x64xf32>
    %add3A = arith.addf %get3A_1, %get3A_6 : vector<10000x64xf32>
    %get3A_7 = arith.constant 1 : index
    %get3A_8 = arith.constant 0 : index
    %get3A_9 = arith.constant 0 : index
    %get3A_10 = vector.load %arg1[%get3A_7, %get3A_8, %get3A_9] : memref<2x10240x64xf32, #tpu.memory_space<vmem>>, vector<1x10000x64xf32>
    %get3A_11 = vector.shape_cast %get3A_10 : vector<1x10000x64xf32> to vector<10000x64xf32>
    %add3A_12 = arith.addf %add3A, %get3A_11 : vector<10000x64xf32>
    %get3A_13 = arith.constant 0 : index
    %get3A_14 = arith.constant 0 : index
    %get3A_15 = vector.load %arg2[%get3A_13, %get3A_14] : memref<1x64xf32, #tpu.memory_space<vmem>>, vector<1x64xf32>
    %add3A_16 = vector.broadcast %get3A_15 : vector<1x64xf32> to vector<10000x64xf32>
    %add3A_17 = arith.addf %add3A_12, %add3A_16 : vector<10000x64xf32>
    %max3A = arith.constant 0.000000e+00 : f32
    %max3A_18 = vector.broadcast %max3A : f32 to vector<10000x64xf32>
    %max3A_19 = arith.maximumf %add3A_17, %max3A_18 : vector<10000x64xf32>
    %get3A_20 = arith.constant 0 : index
    %get3A_21 = arith.constant 0 : index
    %get3A_22 = vector.load %arg3[%get3A_20, %get3A_21] : memref<64x16xf32, #tpu.memory_space<vmem>>, vector<64x16xf32>
    %dot_general3A = arith.constant dense<0.000000e+00> : vector<10000x16xf32>
    %dot_general3A_23 = tpu.matmul %max3A_19, %get3A_22, %dot_general3A {dimension_numbers = #tpu.dot_dimension_numbers<[1], [0], [0], [1], [0, 0, 1, 1], [], []>, transpose_lhs_hint = false} : vector<10000x64xf32>, vector<64x16xf32>, vector<10000x16xf32> -> vector<10000x16xf32>
    %swap3A = arith.constant 0 : index
    %swap3A_24 = arith.constant 0 : index
    %swap3A_25 = vector.load %arg5[%swap3A, %swap3A_24] : memref<10016x16xf32, #tpu.memory_space<vmem>>, vector<10000x16xf32>
    tpu.vector_store %arg5[%swap3A, %swap3A_24], %dot_general3A_23 {strides = array<i32>} : memref<10016x16xf32, #tpu.memory_space<vmem>>, vector<10000x16xf32>,
    %broadcast_in_dim3A = arith.constant 0.000000e+00 : f32
    %broadcast_in_dim3A_26 = vector.broadcast %broadcast_in_dim3A : f32 to vector<16x16xf32>
    %swap3A_27 = arith.constant 10000 : index
    %swap3A_28 = arith.constant 0 : index
    %swap3A_29 = vector.load %arg5[%swap3A_27, %swap3A_28] : memref<10016x16xf32, #tpu.memory_space<vmem>>, vector<16x16xf32>
    tpu.vector_store %arg5[%swap3A_27, %swap3A_28], %broadcast_in_dim3A_26 {strides = array<i32>} : memref<10016x16xf32, #tpu.memory_space<vmem>>, vector<16x16xf32>,
    %get3A_30 = arith.constant 0 : index
    %get3A_31 = arith.constant 0 : index
    %get3A_32 = vector.load %arg4[%get3A_30, %get3A_31] : memref<64x16xf32, #tpu.memory_space<vmem>>, vector<64x16xf32>
    %dot_general3A_33 = arith.constant dense<0.000000e+00> : vector<10000x16xf32>
    %dot_general3A_34 = tpu.matmul %max3A_19, %get3A_32, %dot_general3A_33 {dimension_numbers = #tpu.dot_dimension_numbers<[1], [0], [0], [1], [0, 0, 1, 1], [], []>, transpose_lhs_hint = false} : vector<10000x64xf32>, vector<64x16xf32>, vector<10000x16xf32> -> vector<10000x16xf32>
    %swap3A_35 = arith.constant 0 : index
    %swap3A_36 = arith.constant 0 : index
    %swap3A_37 = vector.load %arg6[%swap3A_35, %swap3A_36] : memref<10000x16xf32, #tpu.memory_space<vmem>>, vector<10000x16xf32>
    tpu.vector_store %arg6[%swap3A_35, %swap3A_36], %dot_general3A_34 {strides = array<i32>} : memref<10000x16xf32, #tpu.memory_space<vmem>>, vector<10000x16xf32>,
    return
  }
}

module attributes {stable_mosaic.version = 14 : i64} {
  func.func @_final_body(%arg0: memref<10000x16xf32, #tpu.memory_space<vmem>>, %arg1: memref<2x10240x16xf32, #tpu.memory_space<vmem>>, %arg2: memref<1x16xf32, #tpu.memory_space<vmem>>, %arg3: memref<10000x16xf32, #tpu.memory_space<vmem>>) attributes {dimension_semantics = [], scalar_prefetch = 0 : i64, scratch_operands = 0 : i64, tpu.core_type = #tpu.core_type<tc>} {
    %get3A = arith.constant 0 : index
    %get3A_0 = arith.constant 0 : index
    %get3A_1 = vector.load %arg0[%get3A, %get3A_0] : memref<10000x16xf32, #tpu.memory_space<vmem>>, vector<10000x16xf32>
    %get3A_2 = arith.constant 0 : index
    %get3A_3 = arith.constant 0 : index
    %get3A_4 = arith.constant 0 : index
    %get3A_5 = vector.load %arg1[%get3A_2, %get3A_3, %get3A_4] : memref<2x10240x16xf32, #tpu.memory_space<vmem>>, vector<1x10000x16xf32>
    %get3A_6 = vector.shape_cast %get3A_5 : vector<1x10000x16xf32> to vector<10000x16xf32>
    %add3A = arith.addf %get3A_1, %get3A_6 : vector<10000x16xf32>
    %get3A_7 = arith.constant 1 : index
    %get3A_8 = arith.constant 0 : index
    %get3A_9 = arith.constant 0 : index
    %get3A_10 = vector.load %arg1[%get3A_7, %get3A_8, %get3A_9] : memref<2x10240x16xf32, #tpu.memory_space<vmem>>, vector<1x10000x16xf32>
    %get3A_11 = vector.shape_cast %get3A_10 : vector<1x10000x16xf32> to vector<10000x16xf32>
    %add3A_12 = arith.addf %add3A, %get3A_11 : vector<10000x16xf32>
    %get3A_13 = arith.constant 0 : index
    %get3A_14 = arith.constant 0 : index
    %get3A_15 = vector.load %arg2[%get3A_13, %get3A_14] : memref<1x16xf32, #tpu.memory_space<vmem>>, vector<1x16xf32>
    %add3A_16 = vector.broadcast %get3A_15 : vector<1x16xf32> to vector<10000x16xf32>
    %add3A_17 = arith.addf %add3A_12, %add3A_16 : vector<10000x16xf32>
    %reduce_max3A = arith.constant dense<0xFF800000> : vector<10000xf32>
    %reduce_max3A_18 = vector.multi_reduction <maximumf>, %add3A_17, %reduce_max3A [1] : vector<10000x16xf32> to vector<10000xf32>
    %broadcast_in_dim3A = vector.shape_cast %reduce_max3A_18 : vector<10000xf32> to vector<10000x1xf32>
    %sub3A = vector.broadcast %broadcast_in_dim3A : vector<10000x1xf32> to vector<10000x16xf32>
    %sub3A_19 = arith.subf %add3A_17, %sub3A : vector<10000x16xf32>
    %exp3A = math.exp %sub3A_19 : vector<10000x16xf32>
    %reduce_sum3A = arith.constant dense<0.000000e+00> : vector<10000xf32>
    %reduce_sum3A_20 = vector.multi_reduction <add>, %exp3A, %reduce_sum3A [1] : vector<10000x16xf32> to vector<10000xf32>
    %broadcast_in_dim3A_21 = vector.shape_cast %reduce_sum3A_20 : vector<10000xf32> to vector<10000x1xf32>
    %log3A = math.log %broadcast_in_dim3A_21 : vector<10000x1xf32>
    %add3A_22 = arith.addf %broadcast_in_dim3A, %log3A : vector<10000x1xf32>
    %sub3A_23 = vector.broadcast %add3A_22 : vector<10000x1xf32> to vector<10000x16xf32>
    %sub3A_24 = arith.subf %add3A_17, %sub3A_23 : vector<10000x16xf32>
    %swap3A = arith.constant 0 : index
    %swap3A_25 = arith.constant 0 : index
    %swap3A_26 = vector.load %arg3[%swap3A, %swap3A_25] : memref<10000x16xf32, #tpu.memory_space<vmem>>, vector<10000x16xf32>
    tpu.vector_store %arg3[%swap3A, %swap3A_25], %sub3A_24 {strides = array<i32>} : memref<10000x16xf32, #tpu.memory_space<vmem>>, vector<10000x16xf32>,
    return
  }
}

</mosaic_0001>

<sc_bundles>
// kernel: kernel.10.cloned.1.call-start
scs
__scs_entry_jumppad:
0x0: {  	(pc) =	sbr.rel $0x88, $3  }
0x1: {  	(tag) =	ssettag $0x0;
	lr =	simm.s32 $0x1  }
0x2: {  	[smem:$0x3F99] =	sst lr;
	_ =	strace $0xD0000000  }
0x3: {  	_ = 	snop  }
0x4: {  	_ = 	snop  }
0x5: {  	_ = 	snop  }
0x6: {  	_ = 	snop  }
0x7: {  	_ = 	snop  }
__scs_overlays_trampoline_lowered:
0x8: {  	[smem:$0x3FA8] =	sst s0  }
0x9: {  	[smem:$0x3FA9] =	sst s1  }
0xa: {  	[smem:$0x3FAA] =	sst s2  }
0xb: {  	[smem:$0x3FAB] =	sst s3  }
0xc: {  	[smem:$0x3FAC] =	sst s4  }
0xd: {  	[smem:$0x3FAD] =	sst s5  }
0xe: {  	[smem:$0x3FAE] =	sst s6  }
0xf: {  	[smem:$0x3FAF] =	sst s7  }
0x10: {  	[smem:$0x3FB0] =	sst s8  }
0x11: {  	[smem:$0x3FB1] =	sst s9;
	s0 =	simm.s32 @!p0 $0x0  }
0x12: {  	s1 =	sld [smem:$0x3F97];
	s0 =	simm.s32 @p0 $0x1  }
0x13: {  	[smem:$0x3FB2] =	sst s0;
	s0 =	simm.s32 @!p1 $0x0  }
0x14: {  	s2 =	sld [smem:$0x3F96];
	s0 =	simm.s32 @p1 $0x1  }
0x15: {  	[smem:$0x3FB3] =	sst s0;
	s0 =	simm.s32 @!p2 $0x0  }
0x16: {  	s3 =	sld [smem:$0x3FDB];
	s0 =	simm.s32 @p2 $0x1  }
0x17: {  	s4 =	simm.s32 $0x1BF5;
	[smem:$0x3FB5] =	sst s0  }
0x18: {  	s0 =	sld [smem:$0x3F98];
	_ =	swait.ge [sflag:s4], $0x0  }
0x19: {  	s7 =	sld [smem:$0x3F99]  }
0x1a: {  	s8 =	sadd.s32 $0xFFFFE003, lr  }
0x1b: {  	s9 =	sadd.s32 $0xFFFFFEF7, lr;
	s5 =	simm.s32 $0xFFFFFFFF;
	p2 =	slt.u32 s8, $0xFFFFF086  }
0x1c: {  	p1 =	slt.u32 s9, $0xF7A;
	s5 =	simm.s32 @!p2 $0x0  }
0x1d: {  	s5 =	simm.s32 @p1 $0x1;
	p0 =	seq.s32 s7, s2  }
0x1e: {  	s7 =	smul.u32 @!p0 $0xF7A, s2;
	p2 =	seq.s32 @!p0 s5, $0x0  }
0x1f: {  	s9 =	smul.u32 $0xF7A, s1;
	s8 =	simm.s32 @!p0 $0x1BF5;
	p2 =	por !p2, p0  }
0x20: {  	[sflag:s8] =	ssyncset.s32 @!p0 $0xFFFFF086;
	s6 =	sadd.s32 @!p0 s3, s7;
	s7 =	simm.s32 @!p0 $0x108  }
0x21: {  	s3 =	sadd.s32 s3, s9;
	s6 =	sadd.s32 @!p0 $0x88, s6;
	s7 =	simm.s32 @p2 $0x1082  }
0x22: {  	[simem:s7], [sflag:s8] =	dma.local @!p0 [hbm:s6], $0xF7A  }
0x23: {  	s9 =	sor.u32 $0xD0000000, s2;
	s6 =	simm.s32 $0x108;
	_ =	swait.ge @!p0 [sflag:s8], $0x0  }
0x24: {  	s3 =	sadd.s32 $0x88, s3;
	s6 =	simm.s32 @!p1 $0x1082;
	[sflag:s4] =	ssyncset.s32 $0xFFFFF086  }
0x25: {  	[simem:s6], [sflag:s4] =	dma.local [hbm:s3], $0xF7A  }
0x26: {  	[smem:$0x3F99] =	sst s1;
	(tag) =	ssettag s2;
	_ =	strace s9  }
0x27: {  	s1 =	sld [smem:$0x3FA9]  }
0x28: {  	s2 =	sld [smem:$0x3FAA]  }
0x29: {  	s4 =	sld [smem:$0x3FAC]  }
0x2a: {  	p0 =	seq.s32 s5, $0x0;
	s5 =	sld [smem:$0x3FAD]  }
0x2b: {  	s6 =	sld [smem:$0x3FAE]  }
0x2c: {  	s7 =	sld [smem:$0x3FAF]  }
0x2d: {  	s3 =	simm.s32 $0x108;
	s8 =	sld [smem:$0x3FB0]  }
0x2e: {  	s3 =	simm.s32 @!p0 $0x1082;
	s9 =	sld [smem:$0x3FB1]  }
0x2f: {  	lr =	sadd.s32 s0, s3;
	s0 =	sld [smem:$0x3FA8]  }
0x30: {  	s3 =	sld [smem:$0x3FAB]  }
0x31: {  	[smem:$0x3FB4] =	sst s10  }
0x32: {  	s10 =	sld [smem:$0x3FB2];
	_ =	sdelay $0x3  }
0x33: {  	p0 =	seq.s32 s10, $0x1;
	s10 =	sld [smem:$0x3FB4];
	_ =	sdelay $0x3  }
0x34: {  	[smem:$0x3FB4] =	sst s10  }
0x35: {  	s10 =	sld [smem:$0x3FB3];
	_ =	sdelay $0x3  }
0x36: {  	p1 =	seq.s32 s10, $0x1;
	s10 =	sld [smem:$0x3FB4];
	_ =	sdelay $0x3  }
0x37: {  	[smem:$0x3FB4] =	sst s10  }
0x38: {  	s10 =	sld [smem:$0x3FB5]  }
0x39: {  	_ = 	snop;
	(pc) =	sbr.ind lr, $3  }
0x3a: {  	_ = 	snop  }
0x3b: {  	_ = 	snop  }
0x3c: {  	p2 =	seq.s32 s10, $0x1;
	s10 =	sld [smem:$0x3FB4]  }
0x3d: {  	_ =	shalt  }
0x3e: {  	_ =	shalt  }
0x3f: {  	_ =	shalt  }
0x40: {  	_ =	shalt  }
0x41: {  	_ =	shalt  }
0x42: {  	_ =	shalt  }
0x43: {  	_ =	shalt  }
0x44: {  	_ =	shalt  }
0x45: {  	_ =	shalt  }
0x46: {  	_ =	shalt  }
0x47: {  	_ =	shalt  }
0x48: {  	_ =	shalt  }
0x49: {  	_ =	shalt  }
0x4a: {  	_ =	shalt  }
0x4b: {  	_ =	shalt  }
0x4c: {  	_ =	shalt  }
0x4d: {  	_ =	shalt  }
0x4e: {  	_ =	shalt  }
0x4f: {  	_ =	shalt  }
0x50: {  	_ =	shalt  }
0x51: {  	_ =	shalt  }
0x52: {  	_ =	shalt  }
0x53: {  	_ =	shalt  }
0x54: {  	_ =	shalt  }
0x55: {  	_ =	shalt  }
0x56: {  	_ =	shalt  }
0x57: {  	_ =	shalt  }
0x58: {  	_ =	shalt  }
0x59: {  	_ =	shalt  }
0x5a: {  	_ =	shalt  }
0x5b: {  	_ =	shalt  }
0x5c: {  	_ =	shalt  }
0x5d: {  	_ =	shalt  }
0x5e: {  	_ =	shalt  }
0x5f: {  	_ =	shalt  }
0x60: {  	_ =	shalt  }
0x61: {  	_ =	shalt  }
0x62: {  	_ =	shalt  }
0x63: {  	_ =	shalt  }
0x64: {  	_ =	shalt  }
0x65: {  	_ =	shalt  }
0x66: {  	_ =	shalt  }
0x67: {  	_ =	shalt  }
0x68: {  	_ =	shalt  }
0x69: {  	_ =	shalt  }
0x6a: {  	_ =	shalt  }
0x6b: {  	_ =	shalt  }
0x6c: {  	_ =	shalt  }
0x6d: {  	_ =	shalt  }
0x6e: {  	_ =	shalt  }
0x6f: {  	_ =	shalt  }
0x70: {  	_ =	shalt  }
0x71: {  	_ =	shalt  }
0x72: {  	_ =	shalt  }
0x73: {  	_ =	shalt  }
0x74: {  	_ =	shalt  }
0x75: {  	_ =	shalt  }
0x76: {  	_ =	shalt  }
0x77: {  	_ =	shalt  }
0x78: {  	_ =	shalt  }
0x79: {  	_ =	shalt  }
0x7a: {  	_ =	shalt  }
0x7b: {  	_ =	shalt  }
0x7c: {  	_ =	shalt  }
0x7d: {  	_ =	shalt  }
0x7e: {  	_ =	shalt  }
0x7f: {  	_ =	shalt  }
0x80: {  	_ =	shalt  }
0x81: {  	_ =	shalt  }
0x82: {  	_ =	shalt  }
0x83: {  	_ =	shalt  }
0x84: {  	_ =	shalt  }
0x85: {  	_ =	shalt  }
0x86: {  	_ =	shalt  }
0x87: {  	_ =	shalt  }
.Lfunc_end0:
.L_simem_size_0:
called_computation.1_lowered:
.L_overlay_start_0:
0x88: {  	s2 =	sld [smem:$0x3FD9]  }
0x89: {  	s3 =	sld [smem:$0x3FFE];
	_ =	sdelay $0x1  }
0x8a: {  	s1 =	srdreg.scid  }
0x8b: {  	s0 =	sand.u32 $0x1, s1  }
0x8c: {  	s17 =	sshll.u32 s0, $0xA;
	s2 =	sadd.s32 s3, s2  }
0x8d: {  	s2 =	sadd.s32 s2, s17  }
0x8e: {  	[smem:$0x3FC0] =	sst s2  }
0x8f: {  	_ = 	snop  }
0x90: {  	s2 =	sld [smem:$0x3FD0];
	(tm) =	ssettm $0x1  }
0x91: {  	s18 =	sld [smem:$0x3FFB];
	_ =	sdelay $0x3  }
0x92: {  	_ =	strace s18  }
0x93: {  	s3 =	sld [smem:$0x3FFC];
	_ =	sdelay $0x3  }
0x94: {  	_ =	strace s3  }
0x95: {  	s3 =	sld [smem:$0x3FFD];
	_ =	sdelay $0x3  }
0x96: {  	_ =	strace s3  }
0x97: {  	_ =	strace $0x8FFFFFFF  }
0x98: {  	s19 =	sld [smem:$0x3FDB];
	_ =	sdelay $0x1  }
0x99: {  	s4 =	simm.s32 $_scs_section_size  }
0x9a: {  	s5 =	simm.s32 $_size__tile_overlayer_lowered;
	s6 =	simm.s32 $_tile_overlayer_lowered  }
0x9b: {  	s22 =	simm.s32 $0x1BFF;
	s21 =	sshll.u32 s6, $0x1;
	s3 =	sadd.s32 s4, s19  }
0x9c: {  	s7 =	simm.s32 $0x0;
	s20 =	sshll.u32 s5, $0x1;
	s5 =	sadd.s32 s21, s3  }
0x9d: {  	[timem:s7], [sflag:s22] =	dma.local [hbm:s5], s20  }
0x9e: {  	_ =	swait.ge [sflag:s22], s20  }
0x9f: {  	s4 =	ssub.s32 $0x0, s20;
	[sflag:s22] =	ssyncset.done $0x0  }
0xa0: {  	[sflag:s22] =	ssyncadd.s32 s4;
	_ =	sdelay $0x1  }
0xa1: {  	s23 =	simm.s32 $0x1B8B  }
0xa2: {  	_ =	swait.ge [sflag:s23], $0x1  }
0xa3: {  	[sflag:s23] =	ssyncset.done $0x0  }
0xa4: {  	s25 =	simm.s32 $0x1B8E;
	s24 =	sld [smem:$0x3FFE];
	[sflag:s23] =	ssyncadd.s32 $0xFFFFFFFF  }
0xa5: {  	s26 =	simm.s32 $execute0_lowered;
	[smem:$0x3FD2] =	sst s25  }
0xa6: {  	s5 =	sshll.u32 s26, $0x1;
	_ =	strace $0x80000049;
	[dreg:$0x1] =	wrdreg $0xFFFFFFFF  }
0xa7: {  	s28 =	simm.s32 $_size_execute0_lowered;
	s3 =	sadd.s32 s3, s5;
	[dreg:$0x0] =	wrdreg $0x0  }
0xa8: {  	s5 =	sshll.u32 s28, $0x1;
	[dreg:$0x2] =	wrdreg s3  }
0xa9: {  	[dreg:$0x3] =	wrdreg s5  }
0xaa: {  	[dreg:$0x4] =	wrdreg $0xC0  }
0xab: {  	_ =	task [dreg:s7], $0x5FFFF  }
0xac: {  	[dreg:$0x1] =	wrdreg $0xFFFFFFFF  }
0xad: {  	[dreg:$0x0] =	wrdreg $0x60  }
0xae: {  	[dreg:$0x2] =	wrdreg s2  }
0xaf: {  	[dreg:$0x3] =	wrdreg s24  }
0xb0: {  	[dreg:$0x4] =	wrdreg $0x57000  }
0xb1: {  	[dreg:$0x5] =	wrdreg $0x7E200  }
0xb2: {  	[dreg:$0x6] =	wrdreg $0x9  }
0xb3: {  	_ =	task.clear_ibuf [dreg:s7], $0x7FFFF;
	_ =	strace $0x90000049  }
0xb4: {  	s29 =	simm.s32 $0x9;
	_ =	strace $0x8000004B  }
0xb5: {  	_ =	swait.ge [sflag:s29], $0x1  }
0xb6: {  	[sflag:s29] =	ssyncadd.s32 $0xFFFFFFFF  }
0xb7: {  	_ =	strace $0x9000004B  }
0xb8: {  	_ =	sfence  }
0xb9: {  	s30 =	sld [smem:$0x0];
	_ =	sdelay $0x2  }
0xba: {  	s31 =	sshll.u32 s1, $0xD;
	s1 =	sshrl.u32 s1, $0x2  }
0xbb: {  	s3 =	sand.u32 $0x4000, s31;
	s1 =	sadd.s32 s1, s30  }
0xbc: {  	s0 =	sor.u32 s3, s0;
	s1 =	sshll.u32 s1, $0x11  }
0xbd: {  	s0 =	sor.u32 s1, s0  }
0xbe: {  	s0 =	sadd.s32 $0x8F2B, s0  }
0xbf: {  	[sflag:s0] =	ssyncadd.remote.s32 $0x1  }
0xc0: {  	_ =	sfence.sel $0xFFFF  }
0xc1: {  	[dreg:$0x0] =	wrdreg $0xFFFFFFFF;
	(pc) =	sbr.abs _section_cstart, $3  }
0xc2: {  	[dreg:$0x1] =	wrdreg $0xFFFFFFFF  }
0xc3: {  	_ =	task.clear_ibuf [dreg:s7], $0x2FFFF;
	_ =	strace $0x9FFFFFFF  }
0xc4: {  	(tm) =	ssettm $0x7FFFFFFF  }
0xc5: {  	_ =	shalt  }
tec
execute0_lowered:
.L_overlay_start_1:
0x0: {  	(tag) =	ssettag $0x1  }
0x1: {  	s6 =	rddreg [dreg:$0x0]  }
0x2: {  	s7 =	rddreg [dreg:$0x1];
	s1 =	srdreg.scid  }
0x3: {  	s0 =	stileid.u32;
	s2 =	rddreg [dreg:$0x2]  }
0x4: {  	s3 =	rddreg [dreg:$0x3];
	s4 =	simm.s32 $0x0;
	s18 =	simm.s32 $0x4F00  }
0x5: {  	s19 =	simm.s32 $0x80;
	s20 =	simm.s32 $0x1;
	s23 =	simm.s32 $0x0  }
0x6: {  	s5 =	sand.u32 $0x1, s1;
	s1 =	rddreg [dreg:$0x4];
	s10 =	smul.u32 $0xA000, s0  }
0x7: {  	s25 =	sshll.u32 s0, $0x1;
	[smem:$0x7FF] =	sst s4;
	s29 =	smul.u32 $0x2720, s0  }
0x8: {  	s15 =	sadd.s32 $0xBA00, s7;
	s16 =	smul.u32 $0x2800, s0;
	s31 =	sshll.u32 s0, $0x6  }
0x9: {  	s8 =	sor.u32 s5, s25;
	s26 =	smul.u32 $0x5000, s5;
	s5 =	ssub.s32 $0x2, s5  }
0xa: {  	_ =	strace $0x8000004A;
	s14 =	smul.u32 $0x4F0, s8;
	s28 =	sshrl.u32 s5, $0x1  }
0xb: {  	s30 =	sshrl.u32 s10, $0x2;
	s17 =	sadd.s32 s29, s2;
	s8 =	sshrl.u32 s29, $0x3  }
0xc: {  	s22 =	sshrl.u32 s16, $0x3;
	s12 =	sadd.s32 s26, s7;
	s13 =	ssub.s32 s5, s28  }
0xd: {  	s11 =	sadd.s32 s30, s3;
	s6 =	sadd.s32 s6, s8;
	s17 =	sshrl.u32 s17, $0x3  }
0xe: {  	s9 =	sadd.s32 s14, s7;
	s7 =	sadd.s32 s16, s3;
	s8 =	sadd.s32 $0x800, s11  }
0xf: {  	s10 =	sadd.s32 $0x1800, s11;
	s21 =	sadd.s32 $0x15800, s12;
	s12 =	smax.u32 s13, $0x1  }
0x10: {  	s13 =	simm.s32 $0x2;
	s14 =	sadd.s32 s14, s15;
	s15 =	simm.s32 $0x2780  }
0x11: {  	s16 =	sor.u32 $0x1C02, s31;
	s5 =	sadd.s32 $0x1C00, s9;
	s9 =	sadd.s32 $0x1000, s11  }
0x12: {  	v0 =	vimm.f32 $0.0e+00;
	s11 =	sadd.s32 $0x2000, s11;
	s21 =	sadd.s32 s22, s21;
	s22 =	sshrl.u32 s7, $0x3  }
.LBB2_1:
0x13: {  	[tilespmem:s4], [sflag:$0x2] =	stream.linear.gather [hbm4b:s5+s4], $0x2780, $0x38;
	[tilespmem:$0xA620] =	vst v63  }
0x14: {  	_ =	swait.ge [sflag:s13], $0x2780  }
0x15: {  	[sflag:s13] =	ssyncset.done $0x0  }
0x16: {  	[sflag:s13] =	ssyncadd.s32 $0xFFFFD880  }
0x17: {  	[tilespmem:s15], [sflag:$0x2] =	stream.linear.gather [hbm4b:s14+s4], $0x2780, $0x38;
	[tilespmem:$0xA620] =	vst v63  }
0x18: {  	_ =	swait.ge [sflag:s13], $0x2780  }
0x19: {  	[sflag:s13] =	ssyncset.done $0x0  }
0x1a: {  	[sflag:s13] =	ssyncadd.s32 $0xFFFFD880  }
0x1b: {  	[spmem:s17], [sflag:s16] =	dma.local [hbm:s6], $0x4E4  }
0x1c: {  	_ =	swait.ge [sflag:s13], $0x4E4  }
0x1d: {  	[sflag:s13] =	ssyncset.done $0x0  }
0x1e: {  	s24 =	simm.s32 $0x40;
	s25 =	simm.s32 $0x0;
	[sflag:s13] =	ssyncadd.s32 $0xFFFFFB1C  }
.LBB2_2:
0x1f: {  	p0 =	sne.s32 s24, $0x1FC0;
	[tilespmem:s25+$0x4F00] =	vst v0;
	s25 =	smov.u32 s24;
	s24 =	sadd.s32 $0x40, s24  }
.Ltmp0:
0x20: {  	(pc) =	sbr.rel @p0 .LBB2_2-.Ltmp0, $2  }
0x21: {  	_ =	sdelay $0x2  }
0x22: {  	s25 =	sshra.s32 s25, $0x2  }
0x23: {  	[tilespmem:s25+$0x4F00] =	vst v0  }
0x24: {  	[spmem:s7] =	stream.linear.scatter [tilespmem:s18], [sflag:$0x2], $0x800, $0x38;
	[tilespmem:$0xA620] =	vst v63  }
0x25: {  	_ =	swait.ge [sflag:s13], $0x800  }
0x26: {  	[sflag:s13] =	ssyncset.done $0x0  }
0x27: {  	[sflag:s13] =	ssyncadd.s32 $0xFFFFF800  }
0x28: {  	[spmem:s8] =	stream.linear.scatter [tilespmem:s18], [sflag:$0x2], $0x800, $0x38;
	[tilespmem:$0xA620] =	vst v63  }
0x29: {  	_ =	swait.ge [sflag:s13], $0x800  }
0x2a: {  	[sflag:s13] =	ssyncset.done $0x0  }
0x2b: {  	[sflag:s13] =	ssyncadd.s32 $0xFFFFF800  }
0x2c: {  	[spmem:s9] =	stream.linear.scatter [tilespmem:s18], [sflag:$0x2], $0x800, $0x38;
	[tilespmem:$0xA620] =	vst v63  }
0x2d: {  	_ =	swait.ge [sflag:s13], $0x800  }
0x2e: {  	[sflag:s13] =	ssyncset.done $0x0  }
0x2f: {  	[sflag:s13] =	ssyncadd.s32 $0xFFFFF800  }
0x30: {  	[spmem:s10] =	stream.linear.scatter [tilespmem:s18], [sflag:$0x2], $0x800, $0x38;
	[tilespmem:$0xA620] =	vst v63  }
0x31: {  	_ =	swait.ge [sflag:s13], $0x800  }
0x32: {  	[sflag:s13] =	ssyncset.done $0x0  }
0x33: {  	[sflag:s13] =	ssyncadd.s32 $0xFFFFF800  }
0x34: {  	[spmem:s11] =	stream.linear.scatter [tilespmem:s18], [sflag:$0x2], $0x800, $0x38;
	[tilespmem:$0xA620] =	vst v63  }
0x35: {  	_ =	swait.ge [sflag:s13], $0x800  }
0x36: {  	[sflag:s13] =	ssyncset.done $0x0  }
0x37: {  	[sflag:s13] =	ssyncadd.s32 $0xFFFFF800  }
0x38: {  	s24 =	simm.s32 $0x0;
	[bflag:$0x0] =	sbarrier.arrive $0xFFFF  }
0x39: {  	[tilespmem:s18], [sflag:$0x1] =	stream.indirect.gather [spmem:s2], $0x10, s24, s19, $0xb8;
	[tilespmem:$0xA620] =	vst v63  }
0x3a: {  	_ =	swait.ge [sflag:s20], $0x800  }
0x3b: {  	[sflag:s20] =	ssyncset.done $0x0  }
0x3c: {  	s31 =	simm.s32 $0x2780;
	[sflag:s20] =	ssyncadd.s32 $0xFFFFF800  }
0x3d: {  	[spmem:s3] =	stream.indirect.scatter.add.f32 [tilespmem:s18], [sflag:$0x2], $0x10, s31, s19, $0xb8;
	[tilespmem:$0xA620] =	vst v63  }
0x3e: {  	_ =	swait.ge [sflag:s13], $0x800  }
0x3f: {  	s25 =	simm.s32 $0x400;
	s24 =	simm.s32 $0x200;
	[sflag:s13] =	ssyncset.done $0x0  }
.LBB2_4:
0x40: {  	s26 =	sshra.s32 s24, $0x2  }
0x41: {  	[sflag:s13] =	ssyncadd.s32 $0xFFFFF800;
	s24 =	smov.u32 s25;
	s28 =	sadd.s32 $0x200, s25  }
0x42: {  	[tilespmem:s18], [sflag:$0x1] =	stream.indirect.gather [spmem:s2], $0x10, s26, s19, $0xb8;
	[tilespmem:$0xA620] =	vst v63  }
0x43: {  	p0 =	sne.s32 s25, $0x9C00;
	_ =	swait.ge [sflag:s20], $0x800  }
.Ltmp1:
0x44: {  	[sflag:s20] =	ssyncset.done $0x0;
	(pc) =	sbr.rel @p0 .LBB2_4-.Ltmp1, $4  }
0x45: {  	s25 =	sadd.s32 $0x2780, s26;
	[sflag:s20] =	ssyncadd.s32 $0xFFFFF800  }
0x46: {  	[spmem:s3] =	stream.indirect.scatter.add.f32 [tilespmem:s18], [sflag:$0x2], $0x10, s25, s19, $0xb8;
	[tilespmem:$0xA620] =	vst v63  }
0x47: {  	_ =	swait.ge [sflag:s13], $0x800  }
0x48: {  	s25 =	smov.u32 s28;
	[sflag:s13] =	ssyncset.done $0x0  }
0x49: {  	s24 =	sshra.s32 s24, $0x2;
	[sflag:s13] =	ssyncadd.s32 $0xFFFFF800  }
0x4a: {  	[tilespmem:s18], [sflag:$0x1] =	stream.indirect.gather [spmem:s2], $0x10, s24, s19, $0xb8;
	[tilespmem:$0xA620] =	vst v63  }
0x4b: {  	_ =	swait.ge [sflag:s20], $0x800  }
0x4c: {  	[sflag:s20] =	ssyncset.done $0x0  }
0x4d: {  	s24 =	sadd.s32 $0x2780, s24;
	[sflag:s20] =	ssyncadd.s32 $0xFFFFF800  }
0x4e: {  	[spmem:s3] =	stream.indirect.scatter.add.f32 [tilespmem:s18], [sflag:$0x2], $0x10, s24, s19, $0xb8;
	[tilespmem:$0xA620] =	vst v63  }
0x4f: {  	_ =	swait.ge [sflag:s13], $0x800  }
0x50: {  	s23 =	sadd.s32 $0x1, s23;
	[sflag:s13] =	ssyncset.done $0x0  }
0x51: {  	p0 =	sne.s32 s23, s12;
	[sflag:s13] =	ssyncadd.s32 $0xFFFFF800  }
.Ltmp2:
0x52: {  	[bflag:$0x0] =	sbarrier.arrive $0xFFFF;
	(pc) =	sbr.rel @p0 .LBB2_1-.Ltmp2, $4  }
0x53: {  	[hbm:s21], [sflag:s16] =	dma.local [spmem:s22], $0x500  }
0x54: {  	_ =	swait.ge [sflag:s13], $0x500  }
0x55: {  	[sflag:s13] =	ssyncset.done $0x0  }
0x56: {  	[sflag:s13] =	ssyncadd.s32 $0xFFFFFB00  }
0x57: {  	_ =	sfence.sel $0x180000  }
0x58: {  	[bflag:$0x0] =	sbarrier.arrive $0xFFFF  }
0x59: {  	p0 =	sne.s32 s0, $0x0;
	_ =	strace $0x9000004A  }
0x5a: {  	s0 =	sadd.s32 @!p0 $0x100000, s1;
	[bflag:$0x2] =	sbarrier.arrive $0xFFFF  }
0x5b: {  	[sflag:s0] =	ssyncadd.tile.s32 @!p0 $0x1;
	_ =	shalt  }
.Lfunc_end2:
_tile_overlayer_lowered:
.L_overlay_start_2:
0x5c: {  	(tag) =	ssettag $0x2  }
0x5d: {  	s0 =	rddreg [dreg:$0x0];
	s2 =	stileid.u32  }
0x5e: {  	s1 =	rddreg [dreg:$0x1];
	p0 =	sne.s32 s2, $0x0  }
0x5f: {  	s3 =	rddreg [dreg:$0x2];
	[bflag:$0x3] =	sbarrier.arrive $0xFFFF;
	s2 =	simm.s32 @!p0 $0x1C02  }
0x60: {  	[timem:s3], [sflag:s2] =	dma.local @!p0 [hbm:s0], s1  }
0x61: {  	s0 =	simm.s32 @!p0 $0x2  }
0x62: {  	_ =	swait.ge @!p0 [sflag:s0], s1  }
0x63: {  	s1 =	ssub.s32 @!p0 $0x0, s1;
	[sflag:s0] =	ssyncset.done @!p0 $0x0  }
0x64: {  	[sflag:s0] =	ssyncadd.s32 @!p0 s1  }
0x65: {  	[bflag:$0x3] =	sbarrier.arrive $0xFFFF  }
0x66: {  	_ =	shalt  }

// kernel: kernel.7.cloned.1.call-start
scs
__scs_entry_jumppad:
0x0: {  	(pc) =	sbr.rel $0x88, $3  }
0x1: {  	(tag) =	ssettag $0x0;
	lr =	simm.s32 $0x1  }
0x2: {  	[smem:$0x3F99] =	sst lr;
	_ =	strace $0xD0000000  }
0x3: {  	_ = 	snop  }
0x4: {  	_ = 	snop  }
0x5: {  	_ = 	snop  }
0x6: {  	_ = 	snop  }
0x7: {  	_ = 	snop  }
__scs_overlays_trampoline_lowered:
0x8: {  	[smem:$0x3FA8] =	sst s0  }
0x9: {  	[smem:$0x3FA9] =	sst s1  }
0xa: {  	[smem:$0x3FAA] =	sst s2  }
0xb: {  	[smem:$0x3FAB] =	sst s3  }
0xc: {  	[smem:$0x3FAC] =	sst s4  }
0xd: {  	[smem:$0x3FAD] =	sst s5  }
0xe: {  	[smem:$0x3FAE] =	sst s6  }
0xf: {  	[smem:$0x3FAF] =	sst s7  }
0x10: {  	[smem:$0x3FB0] =	sst s8  }
0x11: {  	[smem:$0x3FB1] =	sst s9;
	s0 =	simm.s32 @!p0 $0x0  }
0x12: {  	s1 =	sld [smem:$0x3F97];
	s0 =	simm.s32 @p0 $0x1  }
0x13: {  	[smem:$0x3FB2] =	sst s0;
	s0 =	simm.s32 @!p1 $0x0  }
0x14: {  	s2 =	sld [smem:$0x3F96];
	s0 =	simm.s32 @p1 $0x1  }
0x15: {  	[smem:$0x3FB3] =	sst s0;
	s0 =	simm.s32 @!p2 $0x0  }
0x16: {  	s3 =	sld [smem:$0x3FDB];
	s0 =	simm.s32 @p2 $0x1  }
0x17: {  	s4 =	simm.s32 $0x1BF5;
	[smem:$0x3FB5] =	sst s0  }
0x18: {  	s0 =	sld [smem:$0x3F98];
	_ =	swait.ge [sflag:s4], $0x0  }
0x19: {  	s7 =	sld [smem:$0x3F99]  }
0x1a: {  	s8 =	sadd.s32 $0xFFFFE003, lr  }
0x1b: {  	s9 =	sadd.s32 $0xFFFFFEF7, lr;
	s5 =	simm.s32 $0xFFFFFFFF;
	p2 =	slt.u32 s8, $0xFFFFF086  }
0x1c: {  	p1 =	slt.u32 s9, $0xF7A;
	s5 =	simm.s32 @!p2 $0x0  }
0x1d: {  	s5 =	simm.s32 @p1 $0x1;
	p0 =	seq.s32 s7, s2  }
0x1e: {  	s7 =	smul.u32 @!p0 $0xF7A, s2;
	p2 =	seq.s32 @!p0 s5, $0x0  }
0x1f: {  	s9 =	smul.u32 $0xF7A, s1;
	s8 =	simm.s32 @!p0 $0x1BF5;
	p2 =	por !p2, p0  }
0x20: {  	[sflag:s8] =	ssyncset.s32 @!p0 $0xFFFFF086;
	s6 =	sadd.s32 @!p0 s3, s7;
	s7 =	simm.s32 @!p0 $0x108  }
0x21: {  	s3 =	sadd.s32 s3, s9;
	s6 =	sadd.s32 @!p0 $0x88, s6;
	s7 =	simm.s32 @p2 $0x1082  }
0x22: {  	[simem:s7], [sflag:s8] =	dma.local @!p0 [hbm:s6], $0xF7A  }
0x23: {  	s9 =	sor.u32 $0xD0000000, s2;
	s6 =	simm.s32 $0x108;
	_ =	swait.ge @!p0 [sflag:s8], $0x0  }
0x24: {  	s3 =	sadd.s32 $0x88, s3;
	s6 =	simm.s32 @!p1 $0x1082;
	[sflag:s4] =	ssyncset.s32 $0xFFFFF086  }
0x25: {  	[simem:s6], [sflag:s4] =	dma.local [hbm:s3], $0xF7A  }
0x26: {  	[smem:$0x3F99] =	sst s1;
	(tag) =	ssettag s2;
	_ =	strace s9  }
0x27: {  	s1 =	sld [smem:$0x3FA9]  }
0x28: {  	s2 =	sld [smem:$0x3FAA]  }
0x29: {  	s4 =	sld [smem:$0x3FAC]  }
0x2a: {  	p0 =	seq.s32 s5, $0x0;
	s5 =	sld [smem:$0x3FAD]  }
0x2b: {  	s6 =	sld [smem:$0x3FAE]  }
0x2c: {  	s7 =	sld [smem:$0x3FAF]  }
0x2d: {  	s3 =	simm.s32 $0x108;
	s8 =	sld [smem:$0x3FB0]  }
0x2e: {  	s3 =	simm.s32 @!p0 $0x1082;
	s9 =	sld [smem:$0x3FB1]  }
0x2f: {  	lr =	sadd.s32 s0, s3;
	s0 =	sld [smem:$0x3FA8]  }
0x30: {  	s3 =	sld [smem:$0x3FAB]  }
0x31: {  	[smem:$0x3FB4] =	sst s10  }
0x32: {  	s10 =	sld [smem:$0x3FB2];
	_ =	sdelay $0x3  }
0x33: {  	p0 =	seq.s32 s10, $0x1;
	s10 =	sld [smem:$0x3FB4];
	_ =	sdelay $0x3  }
0x34: {  	[smem:$0x3FB4] =	sst s10  }
0x35: {  	s10 =	sld [smem:$0x3FB3];
	_ =	sdelay $0x3  }
0x36: {  	p1 =	seq.s32 s10, $0x1;
	s10 =	sld [smem:$0x3FB4];
	_ =	sdelay $0x3  }
0x37: {  	[smem:$0x3FB4] =	sst s10  }
0x38: {  	s10 =	sld [smem:$0x3FB5]  }
0x39: {  	_ = 	snop;
	(pc) =	sbr.ind lr, $3  }
0x3a: {  	_ = 	snop  }
0x3b: {  	_ = 	snop  }
0x3c: {  	p2 =	seq.s32 s10, $0x1;
	s10 =	sld [smem:$0x3FB4]  }
0x3d: {  	_ =	shalt  }
0x3e: {  	_ =	shalt  }
0x3f: {  	_ =	shalt  }
0x40: {  	_ =	shalt  }
0x41: {  	_ =	shalt  }
0x42: {  	_ =	shalt  }
0x43: {  	_ =	shalt  }
0x44: {  	_ =	shalt  }
0x45: {  	_ =	shalt  }
0x46: {  	_ =	shalt  }
0x47: {  	_ =	shalt  }
0x48: {  	_ =	shalt  }
0x49: {  	_ =	shalt  }
0x4a: {  	_ =	shalt  }
0x4b: {  	_ =	shalt  }
0x4c: {  	_ =	shalt  }
0x4d: {  	_ =	shalt  }
0x4e: {  	_ =	shalt  }
0x4f: {  	_ =	shalt  }
0x50: {  	_ =	shalt  }
0x51: {  	_ =	shalt  }
0x52: {  	_ =	shalt  }
0x53: {  	_ =	shalt  }
0x54: {  	_ =	shalt  }
0x55: {  	_ =	shalt  }
0x56: {  	_ =	shalt  }
0x57: {  	_ =	shalt  }
0x58: {  	_ =	shalt  }
0x59: {  	_ =	shalt  }
0x5a: {  	_ =	shalt  }
0x5b: {  	_ =	shalt  }
0x5c: {  	_ =	shalt  }
0x5d: {  	_ =	shalt  }
0x5e: {  	_ =	shalt  }
0x5f: {  	_ =	shalt  }
0x60: {  	_ =	shalt  }
0x61: {  	_ =	shalt  }
0x62: {  	_ =	shalt  }
0x63: {  	_ =	shalt  }
0x64: {  	_ =	shalt  }
0x65: {  	_ =	shalt  }
0x66: {  	_ =	shalt  }
0x67: {  	_ =	shalt  }
0x68: {  	_ =	shalt  }
0x69: {  	_ =	shalt  }
0x6a: {  	_ =	shalt  }
0x6b: {  	_ =	shalt  }
0x6c: {  	_ =	shalt  }
0x6d: {  	_ =	shalt  }
0x6e: {  	_ =	shalt  }
0x6f: {  	_ =	shalt  }
0x70: {  	_ =	shalt  }
0x71: {  	_ =	shalt  }
0x72: {  	_ =	shalt  }
0x73: {  	_ =	shalt  }
0x74: {  	_ =	shalt  }
0x75: {  	_ =	shalt  }
0x76: {  	_ =	shalt  }
0x77: {  	_ =	shalt  }
0x78: {  	_ =	shalt  }
0x79: {  	_ =	shalt  }
0x7a: {  	_ =	shalt  }
0x7b: {  	_ =	shalt  }
0x7c: {  	_ =	shalt  }
0x7d: {  	_ =	shalt  }
0x7e: {  	_ =	shalt  }
0x7f: {  	_ =	shalt  }
0x80: {  	_ =	shalt  }
0x81: {  	_ =	shalt  }
0x82: {  	_ =	shalt  }
0x83: {  	_ =	shalt  }
0x84: {  	_ =	shalt  }
0x85: {  	_ =	shalt  }
0x86: {  	_ =	shalt  }
0x87: {  	_ =	shalt  }
.Lfunc_end0:
.L_simem_size_0:
called_computation_lowered:
.L_overlay_start_0:
0x88: {  	s2 =	sld [smem:$0x3FD9]  }
0x89: {  	s3 =	sld [smem:$0x3FFE];
	_ =	sdelay $0x1  }
0x8a: {  	s1 =	srdreg.scid  }
0x8b: {  	s0 =	sand.u32 $0x1, s1  }
0x8c: {  	s16 =	sshll.u32 s0, $0xA;
	s2 =	sadd.s32 s3, s2  }
0x8d: {  	s2 =	sadd.s32 s2, s16  }
0x8e: {  	[smem:$0x3FC0] =	sst s2  }
0x8f: {  	_ = 	snop  }
0x90: {  	(tm) =	ssettm $0x1  }
0x91: {  	s17 =	sld [smem:$0x3FFB];
	_ =	sdelay $0x3  }
0x92: {  	_ =	strace s17  }
0x93: {  	s2 =	sld [smem:$0x3FFC];
	_ =	sdelay $0x3  }
0x94: {  	_ =	strace s2  }
0x95: {  	s2 =	sld [smem:$0x3FFD];
	_ =	sdelay $0x3  }
0x96: {  	_ =	strace s2  }
0x97: {  	_ =	strace $0x8FFFFFFF  }
0x98: {  	s18 =	sld [smem:$0x3FDB];
	_ =	sdelay $0x1  }
0x99: {  	s19 =	simm.s32 $_scs_section_size  }
0x9a: {  	s4 =	simm.s32 $_size__tile_overlayer_lowered;
	s5 =	simm.s32 $_tile_overlayer_lowered  }
0x9b: {  	s22 =	simm.s32 $0x1BFF;
	s21 =	sshll.u32 s5, $0x1;
	s2 =	sadd.s32 s19, s18  }
0x9c: {  	s6 =	simm.s32 $0x0;
	s20 =	sshll.u32 s4, $0x1;
	s4 =	sadd.s32 s21, s2  }
0x9d: {  	[timem:s6], [sflag:s22] =	dma.local [hbm:s4], s20  }
0x9e: {  	_ =	swait.ge [sflag:s22], s20  }
0x9f: {  	s3 =	ssub.s32 $0x0, s20;
	[sflag:s22] =	ssyncset.done $0x0  }
0xa0: {  	[sflag:s22] =	ssyncadd.s32 s3;
	_ =	sdelay $0x1  }
0xa1: {  	s23 =	simm.s32 $0x1B8B  }
0xa2: {  	_ =	swait.ge [sflag:s23], $0x1  }
0xa3: {  	[sflag:s23] =	ssyncset.done $0x0  }
0xa4: {  	s25 =	simm.s32 $0x1B8E;
	s24 =	sld [smem:$0x3FFE];
	[sflag:s23] =	ssyncadd.s32 $0xFFFFFFFF  }
0xa5: {  	s26 =	simm.s32 $execute0_lowered;
	[smem:$0x3FD2] =	sst s25  }
0xa6: {  	s4 =	sshll.u32 s26, $0x1;
	_ =	strace $0x80000046;
	[dreg:$0x1] =	wrdreg $0xFFFFFFFF  }
0xa7: {  	s28 =	simm.s32 $_size_execute0_lowered;
	s2 =	sadd.s32 s2, s4;
	[dreg:$0x0] =	wrdreg $0x0  }
0xa8: {  	s4 =	sshll.u32 s28, $0x1;
	[dreg:$0x2] =	wrdreg s2  }
0xa9: {  	[dreg:$0x3] =	wrdreg s4  }
0xaa: {  	[dreg:$0x4] =	wrdreg $0xC0  }
0xab: {  	_ =	task [dreg:s6], $0x5FFFF  }
0xac: {  	[dreg:$0x1] =	wrdreg $0xFFFFFFFF  }
0xad: {  	[dreg:$0x0] =	wrdreg $0x60  }
0xae: {  	[dreg:$0x2] =	wrdreg s24  }
0xaf: {  	[dreg:$0x3] =	wrdreg $0x6F000  }
0xb0: {  	[dreg:$0x4] =	wrdreg $0x10B800  }
0xb1: {  	[dreg:$0x5] =	wrdreg $0x9  }
0xb2: {  	_ =	task.clear_ibuf [dreg:s6], $0x6FFFF;
	_ =	strace $0x90000046  }
0xb3: {  	s29 =	simm.s32 $0x9;
	_ =	strace $0x80000048  }
0xb4: {  	_ =	swait.ge [sflag:s29], $0x1  }
0xb5: {  	[sflag:s29] =	ssyncadd.s32 $0xFFFFFFFF  }
0xb6: {  	_ =	strace $0x90000048  }
0xb7: {  	_ =	sfence  }
0xb8: {  	s30 =	sld [smem:$0x0];
	_ =	sdelay $0x2  }
0xb9: {  	s31 =	sshll.u32 s1, $0xD;
	s1 =	sshrl.u32 s1, $0x2  }
0xba: {  	s3 =	sand.u32 $0x4000, s31;
	s1 =	sadd.s32 s1, s30  }
0xbb: {  	s0 =	sor.u32 s3, s0;
	s1 =	sshll.u32 s1, $0x11  }
0xbc: {  	s0 =	sor.u32 s1, s0  }
0xbd: {  	s0 =	sadd.s32 $0x8F2B, s0  }
0xbe: {  	[sflag:s0] =	ssyncadd.remote.s32 $0x1  }
0xbf: {  	_ =	sfence.sel $0xFFFF  }
0xc0: {  	[dreg:$0x0] =	wrdreg $0xFFFFFFFF;
	(pc) =	sbr.abs _section_cstart, $3  }
0xc1: {  	[dreg:$0x1] =	wrdreg $0xFFFFFFFF  }
0xc2: {  	_ =	task.clear_ibuf [dreg:s6], $0x2FFFF;
	_ =	strace $0x9FFFFFFF  }
0xc3: {  	(tm) =	ssettm $0x7FFFFFFF  }
tec
execute0_lowered:
.L_overlay_start_1:
0x0: {  	(tag) =	ssettag $0x1  }
0x1: {  	s6 =	rddreg [dreg:$0x0]  }
0x2: {  	s2 =	rddreg [dreg:$0x1]  }
0x3: {  	s3 =	rddreg [dreg:$0x2]  }
0x4: {  	s0 =	rddreg [dreg:$0x3];
	s1 =	stileid.u32  }
0x5: {  	s5 =	srdreg.scid;
	s4 =	simm.s32 $0x0;
	s18 =	simm.s32 $0x4F00  }
0x6: {  	s19 =	simm.s32 $0x80;
	s20 =	simm.s32 $0x1;
	s8 =	smul.u32 $0x9C80, s1  }
0x7: {  	s23 =	simm.s32 $0x0;
	s5 =	sand.u32 $0x1, s5;
	s11 =	smul.u32 $0x28000, s1  }
0x8: {  	s7 =	sshll.u32 s1, $0x1;
	[smem:$0x7FF] =	sst s4;
	s29 =	smul.u32 $0xA000, s1  }
0x9: {  	s16 =	sadd.s32 $0xBA00, s6;
	s31 =	sshll.u32 s1, $0x6;
	s7 =	sor.u32 s5, s7  }
0xa: {  	_ =	strace $0x80000047;
	s9 =	smul.u32 $0x14000, s5;
	s5 =	ssub.s32 $0x2, s5  }
0xb: {  	s14 =	smul.u32 $0x4F0, s7;
	s28 =	sshrl.u32 s8, $0x3;
	s10 =	sshrl.u32 s5, $0x1  }
0xc: {  	s30 =	sshrl.u32 s11, $0x2;
	s17 =	sadd.s32 s8, s2;
	s22 =	sshrl.u32 s29, $0x3  }
0xd: {  	s7 =	sadd.s32 s28, s6;
	s13 =	sadd.s32 s9, s6;
	s15 =	ssub.s32 s5, s10  }
0xe: {  	s11 =	sadd.s32 s30, s3;
	s17 =	sshrl.u32 s17, $0x3;
	s12 =	sadd.s32 s14, s6  }
0xf: {  	s6 =	sadd.s32 $0x15800, s7;
	s7 =	sadd.s32 s29, s3;
	s8 =	sadd.s32 $0x2000, s11  }
0x10: {  	s9 =	sadd.s32 $0x4000, s11;
	s10 =	sadd.s32 $0x6000, s11;
	s11 =	sadd.s32 $0x8000, s11  }
0x11: {  	s21 =	sadd.s32 $0x29200, s13;
	s13 =	simm.s32 $0x2;
	s14 =	sadd.s32 s14, s16  }
0x12: {  	s16 =	sor.u32 $0x1C02, s31;
	s5 =	sadd.s32 $0x1C00, s12;
	s12 =	smax.u32 s15, $0x1  }
0x13: {  	v0 =	vimm.f32 $0.0e+00;
	s15 =	simm.s32 $0x2780;
	s21 =	sadd.s32 s22, s21;
	s22 =	sshrl.u32 s7, $0x3  }
.LBB2_1:
0x14: {  	[tilespmem:s4], [sflag:$0x2] =	stream.linear.gather [hbm4b:s5+s4], $0x2780, $0x38;
	[tilespmem:$0x1AB80] =	vst v63  }
0x15: {  	_ =	swait.ge [sflag:s13], $0x2780  }
0x16: {  	[sflag:s13] =	ssyncset.done $0x0  }
0x17: {  	[sflag:s13] =	ssyncadd.s32 $0xFFFFD880  }
0x18: {  	[tilespmem:s15], [sflag:$0x2] =	stream.linear.gather [hbm4b:s14+s4], $0x2780, $0x38;
	[tilespmem:$0x1AB80] =	vst v63  }
0x19: {  	_ =	swait.ge [sflag:s13], $0x2780  }
0x1a: {  	[sflag:s13] =	ssyncset.done $0x0  }
0x1b: {  	[sflag:s13] =	ssyncadd.s32 $0xFFFFD880  }
0x1c: {  	[spmem:s17], [sflag:s16] =	dma.local [hbm:s6], $0x1390  }
0x1d: {  	s24 =	sand.u32 $0x7F00, s4;
	s25 =	sand.u32 $0x30, s4;
	_ =	swait.ge [sflag:s13], $0x1390  }
0x1e: {  	s26 =	sshrl.u32 s24, $0x2;
	s24 =	simm.s32 $0x40;
	[sflag:s13] =	ssyncset.done $0x0  }
0x1f: {  	s26 =	sor.u32 s25, s26;
	s25 =	simm.s32 $0x0;
	[sflag:s13] =	ssyncadd.s32 $0xFFFFEC70  }
.LBB2_2:
0x20: {  	p0 =	sne.s32 s24, $0x7FC0  }
0x21: {  	[tilespmem:s26+$0x4F00] =	vst v0;
	s25 =	sadd.s32 $0x10, s25;
	s26 =	smov.u32 s24;
	s24 =	sadd.s32 $0x40, s24  }
.Ltmp0:
0x22: {  	(pc) =	sbr.rel @p0 .LBB2_2-.Ltmp0, $4  }
0x23: {  	_ = 	snop  }
0x24: {  	s26 =	sand.u32 $0x7F00, s26  }
0x25: {  	s28 =	sand.u32 $0x30, s25;
	s26 =	sshrl.u32 s26, $0x2  }
0x26: {  	s26 =	sor.u32 s28, s26  }
0x27: {  	[tilespmem:s26+$0x4F00] =	vst v0  }
0x28: {  	[spmem:s7] =	stream.linear.scatter [tilespmem:s18], [sflag:$0x2], $0x2000, $0x38;
	[tilespmem:$0x1AB80] =	vst v63  }
0x29: {  	_ =	swait.ge [sflag:s13], $0x2000  }
0x2a: {  	[sflag:s13] =	ssyncset.done $0x0  }
0x2b: {  	[sflag:s13] =	ssyncadd.s32 $0xFFFFE000  }
0x2c: {  	[spmem:s8] =	stream.linear.scatter [tilespmem:s18], [sflag:$0x2], $0x2000, $0x38;
	[tilespmem:$0x1AB80] =	vst v63  }
0x2d: {  	_ =	swait.ge [sflag:s13], $0x2000  }
0x2e: {  	[sflag:s13] =	ssyncset.done $0x0  }
0x2f: {  	[sflag:s13] =	ssyncadd.s32 $0xFFFFE000  }
0x30: {  	[spmem:s9] =	stream.linear.scatter [tilespmem:s18], [sflag:$0x2], $0x2000, $0x38;
	[tilespmem:$0x1AB80] =	vst v63  }
0x31: {  	_ =	swait.ge [sflag:s13], $0x2000  }
0x32: {  	[sflag:s13] =	ssyncset.done $0x0  }
0x33: {  	[sflag:s13] =	ssyncadd.s32 $0xFFFFE000  }
0x34: {  	[spmem:s10] =	stream.linear.scatter [tilespmem:s18], [sflag:$0x2], $0x2000, $0x38;
	[tilespmem:$0x1AB80] =	vst v63  }
0x35: {  	_ =	swait.ge [sflag:s13], $0x2000  }
0x36: {  	[sflag:s13] =	ssyncset.done $0x0  }
0x37: {  	[sflag:s13] =	ssyncadd.s32 $0xFFFFE000  }
0x38: {  	[spmem:s11] =	stream.linear.scatter [tilespmem:s18], [sflag:$0x2], $0x2000, $0x38;
	[tilespmem:$0x1AB80] =	vst v63  }
0x39: {  	_ =	swait.ge [sflag:s13], $0x2000  }
0x3a: {  	[sflag:s13] =	ssyncset.done $0x0  }
0x3b: {  	[sflag:s13] =	ssyncadd.s32 $0xFFFFE000  }
0x3c: {  	s24 =	simm.s32 $0x0;
	[bflag:$0x0] =	sbarrier.arrive $0xFFFF  }
0x3d: {  	[tilespmem:s18], [sflag:$0x1] =	stream.indirect.gather [spmem:s2], $0x40, s24, s19, $0xb8;
	[tilespmem:$0x1AB80] =	vst v63  }
0x3e: {  	_ =	swait.ge [sflag:s20], $0x2000  }
0x3f: {  	[sflag:s20] =	ssyncset.done $0x0  }
0x40: {  	s31 =	simm.s32 $0x2780;
	[sflag:s20] =	ssyncadd.s32 $0xFFFFE000  }
0x41: {  	[spmem:s3] =	stream.indirect.scatter.add.f32 [tilespmem:s18], [sflag:$0x2], $0x40, s31, s19, $0xb8;
	[tilespmem:$0x1AB80] =	vst v63  }
0x42: {  	_ =	swait.ge [sflag:s13], $0x2000  }
0x43: {  	s25 =	simm.s32 $0x400;
	s24 =	simm.s32 $0x200;
	[sflag:s13] =	ssyncset.done $0x0  }
.LBB2_4:
0x44: {  	s26 =	sshra.s32 s24, $0x2  }
0x45: {  	[sflag:s13] =	ssyncadd.s32 $0xFFFFE000;
	s24 =	smov.u32 s25;
	s28 =	sadd.s32 $0x200, s25  }
0x46: {  	[tilespmem:s18], [sflag:$0x1] =	stream.indirect.gather [spmem:s2], $0x40, s26, s19, $0xb8;
	[tilespmem:$0x1AB80] =	vst v63  }
0x47: {  	p0 =	sne.s32 s25, $0x9C00;
	_ =	swait.ge [sflag:s20], $0x2000  }
.Ltmp1:
0x48: {  	[sflag:s20] =	ssyncset.done $0x0;
	(pc) =	sbr.rel @p0 .LBB2_4-.Ltmp1, $4  }
0x49: {  	s25 =	sadd.s32 $0x2780, s26;
	[sflag:s20] =	ssyncadd.s32 $0xFFFFE000  }
0x4a: {  	[spmem:s3] =	stream.indirect.scatter.add.f32 [tilespmem:s18], [sflag:$0x2], $0x40, s25, s19, $0xb8;
	[tilespmem:$0x1AB80] =	vst v63  }
0x4b: {  	_ =	swait.ge [sflag:s13], $0x2000  }
0x4c: {  	s25 =	smov.u32 s28;
	[sflag:s13] =	ssyncset.done $0x0  }
0x4d: {  	s24 =	sshra.s32 s24, $0x2;
	[sflag:s13] =	ssyncadd.s32 $0xFFFFE000  }
0x4e: {  	[tilespmem:s18], [sflag:$0x1] =	stream.indirect.gather [spmem:s2], $0x40, s24, s19, $0xb8;
	[tilespmem:$0x1AB80] =	vst v63  }
0x4f: {  	_ =	swait.ge [sflag:s20], $0x2000  }
0x50: {  	[sflag:s20] =	ssyncset.done $0x0  }
0x51: {  	s24 =	sadd.s32 $0x2780, s24;
	[sflag:s20] =	ssyncadd.s32 $0xFFFFE000  }
0x52: {  	[spmem:s3] =	stream.indirect.scatter.add.f32 [tilespmem:s18], [sflag:$0x2], $0x40, s24, s19, $0xb8;
	[tilespmem:$0x1AB80] =	vst v63  }
0x53: {  	_ =	swait.ge [sflag:s13], $0x2000  }
0x54: {  	s23 =	sadd.s32 $0x1, s23;
	[sflag:s13] =	ssyncset.done $0x0  }
0x55: {  	p0 =	sne.s32 s23, s12;
	[sflag:s13] =	ssyncadd.s32 $0xFFFFE000  }
.Ltmp2:
0x56: {  	[bflag:$0x0] =	sbarrier.arrive $0xFFFF;
	(pc) =	sbr.rel @p0 .LBB2_1-.Ltmp2, $4  }
0x57: {  	[hbm:s21], [sflag:s16] =	dma.local [spmem:s22], $0x1400  }
0x58: {  	_ =	swait.ge [sflag:s13], $0x1400  }
0x59: {  	[sflag:s13] =	ssyncset.done $0x0  }
0x5a: {  	[sflag:s13] =	ssyncadd.s32 $0xFFFFEC00  }
0x5b: {  	_ =	sfence.sel $0x180000  }
0x5c: {  	[bflag:$0x0] =	sbarrier.arrive $0xFFFF  }
0x5d: {  	p0 =	sne.s32 s1, $0x0;
	_ =	strace $0x90000047  }
0x5e: {  	s0 =	sadd.s32 @!p0 $0x100000, s0;
	[bflag:$0x2] =	sbarrier.arrive $0xFFFF  }
0x5f: {  	[sflag:s0] =	ssyncadd.tile.s32 @!p0 $0x1;
	_ =	shalt  }
.Lfunc_end2:
_tile_overlayer_lowered:
.L_overlay_start_2:
0x60: {  	(tag) =	ssettag $0x2  }
0x61: {  	s0 =	rddreg [dreg:$0x0];
	s2 =	stileid.u32  }
0x62: {  	s1 =	rddreg [dreg:$0x1];
	p0 =	sne.s32 s2, $0x0  }
0x63: {  	s3 =	rddreg [dreg:$0x2];
	[bflag:$0x3] =	sbarrier.arrive $0xFFFF;
	s2 =	simm.s32 @!p0 $0x1C02  }
0x64: {  	[timem:s3], [sflag:s2] =	dma.local @!p0 [hbm:s0], s1  }
0x65: {  	s0 =	simm.s32 @!p0 $0x2  }
0x66: {  	_ =	swait.ge @!p0 [sflag:s0], s1  }
0x67: {  	s1 =	ssub.s32 @!p0 $0x0, s1;
	[sflag:s0] =	ssyncset.done @!p0 $0x0  }
0x68: {  	[sflag:s0] =	ssyncadd.s32 @!p0 s1  }
0x69: {  	[bflag:$0x3] =	sbarrier.arrive $0xFFFF  }
0x6a: {  	_ =	shalt  }

</sc_bundles>
